<compile_context>
chip_gen: v7x
topology: tpu7x:2x2x1
jax: 0.10.2.dev20260603
libtpu: 0.0.44.dev20260713+nightly
codegen_flags: <defaults>
</compile_context>

<pallas_src>
import functools

import jax
import jax.numpy as jnp
from jax import lax
from jax.experimental import pallas as pl
from jax.experimental.pallas import tpu as pltpu
from jax.experimental.pallas import tpu_sc as plsc

_F = 26
_V = 100000
_D = 32
_P = 128
_B = 16384
_R = _F * _D

_NC = 2
_NS = 16
_NW = _NC * _NS
_RPW = _R // _NW
_CHUNK = 4096
_NCHUNK = _B // _CHUNK


def _make_gather():
    mesh = plsc.VectorSubcoreMesh(core_axis_name="c", subcore_axis_name="s")

    @functools.partial(
        pl.kernel,
        mesh=mesh,
        out_type=jax.ShapeDtypeStruct((_R, _B), jnp.float32),
        scratch_types=[
            pltpu.VMEM((_V,), jnp.float32),
            pltpu.VMEM((_CHUNK,), jnp.int32),
            pltpu.VMEM((_CHUNK,), jnp.int32),
            pltpu.VMEM((_CHUNK,), jnp.float32),
            pltpu.VMEM((_CHUNK,), jnp.float32),
            pltpu.SemaphoreType.DMA,
            pltpu.SemaphoreType.DMA,
        ],
        compiler_params=pltpu.CompilerParams(
            use_tc_tiling_on_sc=True, needs_layout_passes=False),
    )
    def gather_k(idx_hbm, table_hbm, out_hbm, row_v, ib0, ib1, ob0, ob1,
                 sem_i, sem_o):
        wid = lax.axis_index("s") * _NC + lax.axis_index("c")
        ibufs = (ib0, ib1)
        obufs = (ob0, ob1)

        pltpu.async_copy(idx_hbm.at[0, pl.ds(0, _CHUNK)], ib0, sem_i)

        def do_field(f, out_waits):
            r = f * _D + wid
            pltpu.sync_copy(table_hbm.at[r], row_v)

            for c in range(_NCHUNK):
                ib = ibufs[c % 2]
                ob = obufs[c % 2]
                pltpu.make_async_copy(
                    idx_hbm.at[f, pl.ds(c * _CHUNK, _CHUNK)], ib,
                    sem_i).wait()
                if c + 1 < _NCHUNK:
                    nf, nc = f, c + 1
                else:
                    nf, nc = jnp.minimum(f + 1, _RPW - 1), 0
                pltpu.async_copy(
                    idx_hbm.at[nf, pl.ds(nc * _CHUNK, _CHUNK)],
                    ibufs[(c + 1) % 2], sem_i)
                if out_waits[c]:
                    pltpu.make_async_copy(
                        out_hbm.at[r, pl.ds(c * _CHUNK, _CHUNK)], ob,
                        sem_o).wait()

                @plsc.parallel_loop(0, _CHUNK // 16, unroll=8)
                def per_block(j):
                    o = j * 16
                    idx16 = ib[pl.ds(o, 16)]
                    ob[pl.ds(o, 16)] = plsc.load_gather(row_v, [idx16])
                pltpu.async_copy(ob,
                                 out_hbm.at[r, pl.ds(c * _CHUNK, _CHUNK)],
                                 sem_o)

        do_field(0, (False, False, True, True))
        lax.fori_loop(1, _RPW,
                      lambda f, car: (do_field(f, (True,) * _NCHUNK), car)[1],
                      0)
        pltpu.make_async_copy(out_hbm.at[wid, pl.ds(0, _CHUNK)], ob0,
                              sem_o).wait()
        pltpu.make_async_copy(out_hbm.at[wid, pl.ds(0, _CHUNK)], ob1,
                              sem_o).wait()
        pltpu.make_async_copy(idx_hbm.at[0, pl.ds(0, _CHUNK)], ib0,
                              sem_i).wait()

    return gather_k


_gather = _make_gather()

_BLK = 2048


def _gelu_exact(x):
    return 0.5 * x * (1.0 + lax.erf(x * 0.7071067811865476))


def _mlp_body(ht_ref, w1t_ref, b1_ref, w2t_ref, b2_ref, w3_ref, b3_ref, o_ref):
    ht = ht_ref[...]
    z = jnp.dot(w1t_ref[...], ht, preferred_element_type=jnp.float32)
    h1 = _gelu_exact(z + b1_ref[...])
    z = jnp.dot(w2t_ref[...], h1, preferred_element_type=jnp.float32)
    h2 = _gelu_exact(z + b2_ref[...])
    z = lax.dot_general(h2, w3_ref[...], (((0,), (0,)), ((), ())),
                        preferred_element_type=jnp.float32)
    o_ref[...] = z + b3_ref[...]


_mlp = pl.pallas_call(
    _mlp_body,
    grid=(_B // _BLK,),
    in_specs=[
        pl.BlockSpec((_R, _BLK), lambda i: (0, i)),
        pl.BlockSpec((_P, _R), lambda i: (0, 0)),
        pl.BlockSpec((_P, 1), lambda i: (0, 0)),
        pl.BlockSpec((_P, _P), lambda i: (0, 0)),
        pl.BlockSpec((_P, 1), lambda i: (0, 0)),
        pl.BlockSpec((_P, _P), lambda i: (0, 0)),
        pl.BlockSpec((1, _P), lambda i: (0, 0)),
    ],
    out_specs=pl.BlockSpec((_BLK, _P), lambda i: (i, 0)),
    out_shape=jax.ShapeDtypeStruct((_B, _P), jnp.float32),
)


def kernel(x_cat, tables, W1, b1, W2, b2, W3, b3):
    idx_fb = x_cat.T
    table_rows = tables.transpose(0, 2, 1).reshape(_R, _V)
    ht = _gather(idx_fb, table_rows)
    return _mlp(ht, W1.T, b1.reshape(_P, 1), W2.T, b2.reshape(_P, 1),
                W3, b3.reshape(1, _P))

# --- scband reference (transcript-rebuilt; emitter-appended) ---
"""Pipeline reference for scband-cat-embeddings-cls-nn-84550726189071 (READ-ONLY COPY).

The authoritative reference and input builder live on the scoring server;
editing this copy changes nothing except your own understanding.
"""

import jax, jax.numpy as jnp
import numpy as np

F = 26
V = 100000
D = 32
P = 128
B = 16384

def setup_inputs(seed: int = 0) -> dict:
    key = jax.random.key(seed)
    ks = jax.random.split(key, 9)
    x_cat = jax.random.randint(ks[0], (B, F), 0, V, dtype=jnp.int64 if jax.config.jax_enable_x64 else jnp.int32).astype(jnp.int32)
    tables = jax.random.normal(ks[1], (F, V, D), dtype=jnp.float32)
    W1 = jax.random.normal(ks[2], (F * D, P), dtype=jnp.float32) * (1.0 / np.sqrt(F * D))
    b1 = jnp.zeros((P,), dtype=jnp.float32)
    W2 = jax.random.normal(ks[3], (P, P), dtype=jnp.float32) * (1.0 / np.sqrt(P))
    b2 = jnp.zeros((P,), dtype=jnp.float32)
    W3 = jax.random.normal(ks[4], (P, P), dtype=jnp.float32) * (1.0 / np.sqrt(P))
    b3 = jnp.zeros((P,), dtype=jnp.float32)
    return {"x_cat": x_cat, "tables": tables, "W1": W1, "b1": b1, "W2": W2, "b2": b2, "W3": W3, "b3": b3}

def reference(x_cat, tables, W1, b1, W2, b2, W3, b3):
    # per-field embedding gather: tables[f][x_cat[:, f]] for each field f
    fidx = jnp.arange(F)[None, :]          # [1, F]
    emb = tables[fidx, x_cat]              # [B, F, D]
    h = emb.reshape(emb.shape[0], F * D)   # concat along dim=1
    h = jax.nn.gelu(h @ W1 + b1, approximate=False)
    h = jax.nn.gelu(h @ W2 + b2, approximate=False)
    h = h @ W3 + b3
    return h

if __name__ == "__main__":
    import jax
    _d = setup_inputs()
    print(jax.jit(kernel)(*tuple(_d.values())))

</pallas_src>

<mosaic_0001>
#map = affine_map<(d0, d1) -> (0, 0)>
module attributes {stable_mosaic.version = 14 : i64} {
  func.func @gather_k(%arg0: i32, %arg1: i32, %arg2: memref<26x16384xi32, #tpu.memory_space<hbm>>, %arg3: memref<832x100000xf32, #tpu.memory_space<hbm>>, %arg4: memref<832x16384xf32, #tpu.memory_space<hbm>>, %arg5: memref<100000xf32, #tpu.memory_space<vmem>>, %arg6: memref<4096xi32, #tpu.memory_space<vmem>>, %arg7: memref<4096xi32, #tpu.memory_space<vmem>>, %arg8: memref<4096xf32, #tpu.memory_space<vmem>>, %arg9: memref<4096xf32, #tpu.memory_space<vmem>>, %arg10: memref<!tpu.dma_semaphore, #tpu.memory_space<semaphore_mem>>, %arg11: memref<!tpu.dma_semaphore, #tpu.memory_space<semaphore_mem>>) attributes {dimension_semantics = [#tpu.dimension_semantics<core_parallel>, #tpu.dimension_semantics<subcore_parallel>], iteration_bounds = array<i64: 2, 16>, scalar_prefetch = 0 : i64, scratch_operands = 7 : i64, tpu.core_type = #tpu.core_type<sc_vector_subcore>, window_params = [{transform_indices = #map}, {transform_indices = #map}, {transform_indices = #map}]} {
    %mul3A = arith.constant 2 : i32
    %mul3A_0 = arith.muli %arg1, %mul3A : i32
    %add3A = arith.addi %mul3A_0, %arg0 : i32
    %dma_start3A = arith.constant 0 : i32
    %dma_start3A_1 = arith.constant 0 : i32
    %dma_start3A_2 = tpu.memref_slice %arg2[%dma_start3A, %dma_start3A_1] : memref<26x16384xi32, #tpu.memory_space<hbm>> -> memref<1x4096xi32, #tpu.memory_space<hbm>>
    %dma_start3A_3 = tpu.memref_squeeze %dma_start3A_2 : memref<1x4096xi32, #tpu.memory_space<hbm>> -> memref<4096xi32, #tpu.memory_space<hbm>>
    %dma_start3A_4 = arith.constant 0 : i32
    %dma_start3A_5 = tpu.memref_slice %arg2[%dma_start3A, %dma_start3A_4] : memref<26x16384xi32, #tpu.memory_space<hbm>> -> memref<1x4096xi32, #tpu.memory_space<hbm>>
    %dma_start3A_6 = tpu.memref_squeeze %dma_start3A_5 : memref<1x4096xi32, #tpu.memory_space<hbm>> -> memref<4096xi32, #tpu.memory_space<hbm>>
    tpu.enqueue_dma source(%dma_start3A_6 : memref<4096xi32, #tpu.memory_space<hbm>>) target(%arg6 : memref<4096xi32, #tpu.memory_space<vmem>>) target_semaphore(%arg10 : memref<!tpu.dma_semaphore, #tpu.memory_space<semaphore_mem>>)
    %add3A_7 = arith.constant 0 : i32
    %add3A_8 = arith.addi %add3A_7, %add3A : i32
    "tpu.region"() ({
      %run_scoped3A = tpu.sem_alloc : memref<!tpu.dma_semaphore, #tpu.memory_space<semaphore_mem>>
      %dma_start3A_136 = arith.constant 0 : i32
      %dma_start3A_137 = tpu.memref_slice %arg3[%add3A_8, %dma_start3A_136] : memref<832x100000xf32, #tpu.memory_space<hbm>> -> memref<1x100000xf32, #tpu.memory_space<hbm>>
      %dma_start3A_138 = tpu.memref_squeeze %dma_start3A_137 : memref<1x100000xf32, #tpu.memory_space<hbm>> -> memref<100000xf32, #tpu.memory_space<hbm>>
      %dma_start3A_139 = arith.constant 0 : i32
      %dma_start3A_140 = tpu.memref_slice %arg3[%add3A_8, %dma_start3A_139] : memref<832x100000xf32, #tpu.memory_space<hbm>> -> memref<1x100000xf32, #tpu.memory_space<hbm>>
      %dma_start3A_141 = tpu.memref_squeeze %dma_start3A_140 : memref<1x100000xf32, #tpu.memory_space<hbm>> -> memref<100000xf32, #tpu.memory_space<hbm>>
      tpu.enqueue_dma source(%dma_start3A_141 : memref<100000xf32, #tpu.memory_space<hbm>>) target(%arg5 : memref<100000xf32, #tpu.memory_space<vmem>>) target_semaphore(%run_scoped3A : memref<!tpu.dma_semaphore, #tpu.memory_space<semaphore_mem>>)
      %dma_wait3A_142 = arith.constant 0 : i32
      %dma_wait3A_143 = tpu.memref_slice %arg3[%add3A_8, %dma_wait3A_142] : memref<832x100000xf32, #tpu.memory_space<hbm>> -> memref<1x100000xf32, #tpu.memory_space<hbm>>
      %dma_wait3A_144 = tpu.memref_squeeze %dma_wait3A_143 : memref<1x100000xf32, #tpu.memory_space<hbm>> -> memref<100000xf32, #tpu.memory_space<hbm>>
      %dma_wait3A_145 = arith.constant 0 : i32
      %dma_wait3A_146 = tpu.memref_slice %arg3[%add3A_8, %dma_wait3A_145] : memref<832x100000xf32, #tpu.memory_space<hbm>> -> memref<1x100000xf32, #tpu.memory_space<hbm>>
      %dma_wait3A_147 = tpu.memref_squeeze %dma_wait3A_146 : memref<1x100000xf32, #tpu.memory_space<hbm>> -> memref<100000xf32, #tpu.memory_space<hbm>>
      tpu.wait_dma2 semaphore(%run_scoped3A : memref<!tpu.dma_semaphore, #tpu.memory_space<semaphore_mem>>) src(%dma_wait3A_147 : memref<100000xf32, #tpu.memory_space<hbm>>) dst(%arg5 : memref<100000xf32, #tpu.memory_space<vmem>>)
      tpu.yield
    }) : () -> ()
    %dma_wait3A = arith.constant 0 : i32
    %dma_wait3A_9 = arith.constant 0 : i32
    %dma_wait3A_10 = tpu.memref_slice %arg2[%dma_wait3A, %dma_wait3A_9] : memref<26x16384xi32, #tpu.memory_space<hbm>> -> memref<1x4096xi32, #tpu.memory_space<hbm>>
    %dma_wait3A_11 = tpu.memref_squeeze %dma_wait3A_10 : memref<1x4096xi32, #tpu.memory_space<hbm>> -> memref<4096xi32, #tpu.memory_space<hbm>>
    %dma_wait3A_12 = arith.constant 0 : i32
    %dma_wait3A_13 = tpu.memref_slice %arg2[%dma_wait3A, %dma_wait3A_12] : memref<26x16384xi32, #tpu.memory_space<hbm>> -> memref<1x4096xi32, #tpu.memory_space<hbm>>
    %dma_wait3A_14 = tpu.memref_squeeze %dma_wait3A_13 : memref<1x4096xi32, #tpu.memory_space<hbm>> -> memref<4096xi32, #tpu.memory_space<hbm>>
    tpu.wait_dma2 semaphore(%arg10 : memref<!tpu.dma_semaphore, #tpu.memory_space<semaphore_mem>>) src(%dma_wait3A_14 : memref<4096xi32, #tpu.memory_space<hbm>>) dst(%arg6 : memref<4096xi32, #tpu.memory_space<vmem>>)
    %dma_start3A_15 = arith.constant 0 : i32
    %dma_start3A_16 = arith.constant 4096 : i32
    %dma_start3A_17 = tpu.memref_slice %arg2[%dma_start3A_15, %dma_start3A_16] : memref<26x16384xi32, #tpu.memory_space<hbm>> -> memref<1x4096xi32, #tpu.memory_space<hbm>>
    %dma_start3A_18 = tpu.memref_squeeze %dma_start3A_17 : memref<1x4096xi32, #tpu.memory_space<hbm>> -> memref<4096xi32, #tpu.memory_space<hbm>>
    %dma_start3A_19 = arith.constant 4096 : i32
    %dma_start3A_20 = tpu.memref_slice %arg2[%dma_start3A_15, %dma_start3A_19] : memref<26x16384xi32, #tpu.memory_space<hbm>> -> memref<1x4096xi32, #tpu.memory_space<hbm>>
    %dma_start3A_21 = tpu.memref_squeeze %dma_start3A_20 : memref<1x4096xi32, #tpu.memory_space<hbm>> -> memref<4096xi32, #tpu.memory_space<hbm>>
    tpu.enqueue_dma source(%dma_start3A_21 : memref<4096xi32, #tpu.memory_space<hbm>>) target(%arg7 : memref<4096xi32, #tpu.memory_space<vmem>>) target_semaphore(%arg10 : memref<!tpu.dma_semaphore, #tpu.memory_space<semaphore_mem>>)
    %parallel_loop3A = arith.constant 0 : i32
    %parallel_loop3A_22 = arith.constant 256 : i32
    %parallel_loop3A_23 = arith.constant 1 : i32
    scf.for %parallel_loop3A_136 = %parallel_loop3A to %parallel_loop3A_22 step %parallel_loop3A_23  : i32 {
      %parallel_loop3A_137 = arith.constant 16 : i32
      %parallel_loop3A_138 = arith.muli %parallel_loop3A_136, %parallel_loop3A_137 : i32
      %parallel_loop3A_139 = arith.index_cast %parallel_loop3A_138 : i32 to index
      %parallel_loop3A_140 = tpu.vector_load %arg6[%parallel_loop3A_139] {strides = array<i32>} : memref<4096xi32, #tpu.memory_space<vmem>>, vector<16xi32>,
      %parallel_loop3A_141 = tpu.vector_load_idx %arg5[%parallel_loop3A_140] : memref<100000xf32, #tpu.memory_space<vmem>>[vector<16xi32>], vector<16xf32>,
      %parallel_loop3A_142 = arith.index_cast %parallel_loop3A_138 : i32 to index
      %parallel_loop3A_143 = tpu.vector_load %arg8[%parallel_loop3A_142] {strides = array<i32>} : memref<4096xf32, #tpu.memory_space<vmem>>, vector<16xf32>,
      tpu.vector_store %arg8[%parallel_loop3A_142], %parallel_loop3A_141 {strides = array<i32>} : memref<4096xf32, #tpu.memory_space<vmem>>, vector<16xf32>,
    } {sc.loop_unroll_factor = 8 : i64, sc.parallel_access}
    %dma_start3A_24 = arith.constant 0 : i32
    %dma_start3A_25 = tpu.memref_slice %arg4[%add3A_8, %dma_start3A_24] : memref<832x16384xf32, #tpu.memory_space<hbm>> -> memref<1x4096xf32, #tpu.memory_space<hbm>>
    %dma_start3A_26 = tpu.memref_squeeze %dma_start3A_25 : memref<1x4096xf32, #tpu.memory_space<hbm>> -> memref<4096xf32, #tpu.memory_space<hbm>>
    %dma_start3A_27 = arith.constant 0 : i32
    %dma_start3A_28 = tpu.memref_slice %arg4[%add3A_8, %dma_start3A_27] : memref<832x16384xf32, #tpu.memory_space<hbm>> -> memref<1x4096xf32, #tpu.memory_space<hbm>>
    %dma_start3A_29 = tpu.memref_squeeze %dma_start3A_28 : memref<1x4096xf32, #tpu.memory_space<hbm>> -> memref<4096xf32, #tpu.memory_space<hbm>>
    tpu.enqueue_dma source(%arg8 : memref<4096xf32, #tpu.memory_space<vmem>>) target(%dma_start3A_29 : memref<4096xf32, #tpu.memory_space<hbm>>) target_semaphore(%arg11 : memref<!tpu.dma_semaphore, #tpu.memory_space<semaphore_mem>>)
    %dma_wait3A_30 = arith.constant 0 : i32
    %dma_wait3A_31 = arith.constant 4096 : i32
    %dma_wait3A_32 = tpu.memref_slice %arg2[%dma_wait3A_30, %dma_wait3A_31] : memref<26x16384xi32, #tpu.memory_space<hbm>> -> memref<1x4096xi32, #tpu.memory_space<hbm>>
    %dma_wait3A_33 = tpu.memref_squeeze %dma_wait3A_32 : memref<1x4096xi32, #tpu.memory_space<hbm>> -> memref<4096xi32, #tpu.memory_space<hbm>>
    %dma_wait3A_34 = arith.constant 4096 : i32
    %dma_wait3A_35 = tpu.memref_slice %arg2[%dma_wait3A_30, %dma_wait3A_34] : memref<26x16384xi32, #tpu.memory_space<hbm>> -> memref<1x4096xi32, #tpu.memory_space<hbm>>
    %dma_wait3A_36 = tpu.memref_squeeze %dma_wait3A_35 : memref<1x4096xi32, #tpu.memory_space<hbm>> -> memref<4096xi32, #tpu.memory_space<hbm>>
    tpu.wait_dma2 semaphore(%arg10 : memref<!tpu.dma_semaphore, #tpu.memory_space<semaphore_mem>>) src(%dma_wait3A_36 : memref<4096xi32, #tpu.memory_space<hbm>>) dst(%arg7 : memref<4096xi32, #tpu.memory_space<vmem>>)
    %dma_start3A_37 = arith.constant 0 : i32
    %dma_start3A_38 = arith.constant 8192 : i32
    %dma_start3A_39 = tpu.memref_slice %arg2[%dma_start3A_37, %dma_start3A_38] : memref<26x16384xi32, #tpu.memory_space<hbm>> -> memref<1x4096xi32, #tpu.memory_space<hbm>>
    %dma_start3A_40 = tpu.memref_squeeze %dma_start3A_39 : memref<1x4096xi32, #tpu.memory_space<hbm>> -> memref<4096xi32, #tpu.memory_space<hbm>>
    %dma_start3A_41 = arith.constant 8192 : i32
    %dma_start3A_42 = tpu.memref_slice %arg2[%dma_start3A_37, %dma_start3A_41] : memref<26x16384xi32, #tpu.memory_space<hbm>> -> memref<1x4096xi32, #tpu.memory_space<hbm>>
    %dma_start3A_43 = tpu.memref_squeeze %dma_start3A_42 : memref<1x4096xi32, #tpu.memory_space<hbm>> -> memref<4096xi32, #tpu.memory_space<hbm>>
    tpu.enqueue_dma source(%dma_start3A_43 : memref<4096xi32, #tpu.memory_space<hbm>>) target(%arg6 : memref<4096xi32, #tpu.memory_space<vmem>>) target_semaphore(%arg10 : memref<!tpu.dma_semaphore, #tpu.memory_space<semaphore_mem>>)
    %parallel_loop3A_44 = arith.constant 0 : i32
    %parallel_loop3A_45 = arith.constant 256 : i32
    %parallel_loop3A_46 = arith.constant 1 : i32
    scf.for %parallel_loop3A_136 = %parallel_loop3A_44 to %parallel_loop3A_45 step %parallel_loop3A_46  : i32 {
      %parallel_loop3A_137 = arith.constant 16 : i32
      %parallel_loop3A_138 = arith.muli %parallel_loop3A_136, %parallel_loop3A_137 : i32
      %parallel_loop3A_139 = arith.index_cast %parallel_loop3A_138 : i32 to index
      %parallel_loop3A_140 = tpu.vector_load %arg7[%parallel_loop3A_139] {strides = array<i32>} : memref<4096xi32, #tpu.memory_space<vmem>>, vector<16xi32>,
      %parallel_loop3A_141 = tpu.vector_load_idx %arg5[%parallel_loop3A_140] : memref<100000xf32, #tpu.memory_space<vmem>>[vector<16xi32>], vector<16xf32>,
      %parallel_loop3A_142 = arith.index_cast %parallel_loop3A_138 : i32 to index
      %parallel_loop3A_143 = tpu.vector_load %arg9[%parallel_loop3A_142] {strides = array<i32>} : memref<4096xf32, #tpu.memory_space<vmem>>, vector<16xf32>,
      tpu.vector_store %arg9[%parallel_loop3A_142], %parallel_loop3A_141 {strides = array<i32>} : memref<4096xf32, #tpu.memory_space<vmem>>, vector<16xf32>,
    } {sc.loop_unroll_factor = 8 : i64, sc.parallel_access}
    %dma_start3A_47 = arith.constant 4096 : i32
    %dma_start3A_48 = tpu.memref_slice %arg4[%add3A_8, %dma_start3A_47] : memref<832x16384xf32, #tpu.memory_space<hbm>> -> memref<1x4096xf32, #tpu.memory_space<hbm>>
    %dma_start3A_49 = tpu.memref_squeeze %dma_start3A_48 : memref<1x4096xf32, #tpu.memory_space<hbm>> -> memref<4096xf32, #tpu.memory_space<hbm>>
    %dma_start3A_50 = arith.constant 4096 : i32
    %dma_start3A_51 = tpu.memref_slice %arg4[%add3A_8, %dma_start3A_50] : memref<832x16384xf32, #tpu.memory_space<hbm>> -> memref<1x4096xf32, #tpu.memory_space<hbm>>
    %dma_start3A_52 = tpu.memref_squeeze %dma_start3A_51 : memref<1x4096xf32, #tpu.memory_space<hbm>> -> memref<4096xf32, #tpu.memory_space<hbm>>
    tpu.enqueue_dma source(%arg9 : memref<4096xf32, #tpu.memory_space<vmem>>) target(%dma_start3A_52 : memref<4096xf32, #tpu.memory_space<hbm>>) target_semaphore(%arg11 : memref<!tpu.dma_semaphore, #tpu.memory_space<semaphore_mem>>)
    %dma_wait3A_53 = arith.constant 0 : i32
    %dma_wait3A_54 = arith.constant 8192 : i32
    %dma_wait3A_55 = tpu.memref_slice %arg2[%dma_wait3A_53, %dma_wait3A_54] : memref<26x16384xi32, #tpu.memory_space<hbm>> -> memref<1x4096xi32, #tpu.memory_space<hbm>>
    %dma_wait3A_56 = tpu.memref_squeeze %dma_wait3A_55 : memref<1x4096xi32, #tpu.memory_space<hbm>> -> memref<4096xi32, #tpu.memory_space<hbm>>
    %dma_wait3A_57 = arith.constant 8192 : i32
    %dma_wait3A_58 = tpu.memref_slice %arg2[%dma_wait3A_53, %dma_wait3A_57] : memref<26x16384xi32, #tpu.memory_space<hbm>> -> memref<1x4096xi32, #tpu.memory_space<hbm>>
    %dma_wait3A_59 = tpu.memref_squeeze %dma_wait3A_58 : memref<1x4096xi32, #tpu.memory_space<hbm>> -> memref<4096xi32, #tpu.memory_space<hbm>>
    tpu.wait_dma2 semaphore(%arg10 : memref<!tpu.dma_semaphore, #tpu.memory_space<semaphore_mem>>) src(%dma_wait3A_59 : memref<4096xi32, #tpu.memory_space<hbm>>) dst(%arg6 : memref<4096xi32, #tpu.memory_space<vmem>>)
    %dma_start3A_60 = arith.constant 0 : i32
    %dma_start3A_61 = arith.constant 12288 : i32
    %dma_start3A_62 = tpu.memref_slice %arg2[%dma_start3A_60, %dma_start3A_61] : memref<26x16384xi32, #tpu.memory_space<hbm>> -> memref<1x4096xi32, #tpu.memory_space<hbm>>
    %dma_start3A_63 = tpu.memref_squeeze %dma_start3A_62 : memref<1x4096xi32, #tpu.memory_space<hbm>> -> memref<4096xi32, #tpu.memory_space<hbm>>
    %dma_start3A_64 = arith.constant 12288 : i32
    %dma_start3A_65 = tpu.memref_slice %arg2[%dma_start3A_60, %dma_start3A_64] : memref<26x16384xi32, #tpu.memory_space<hbm>> -> memref<1x4096xi32, #tpu.memory_space<hbm>>
    %dma_start3A_66 = tpu.memref_squeeze %dma_start3A_65 : memref<1x4096xi32, #tpu.memory_space<hbm>> -> memref<4096xi32, #tpu.memory_space<hbm>>
    tpu.enqueue_dma source(%dma_start3A_66 : memref<4096xi32, #tpu.memory_space<hbm>>) target(%arg7 : memref<4096xi32, #tpu.memory_space<vmem>>) target_semaphore(%arg10 : memref<!tpu.dma_semaphore, #tpu.memory_space<semaphore_mem>>)
    %dma_wait3A_67 = arith.constant 8192 : i32
    %dma_wait3A_68 = tpu.memref_slice %arg4[%add3A_8, %dma_wait3A_67] : memref<832x16384xf32, #tpu.memory_space<hbm>> -> memref<1x4096xf32, #tpu.memory_space<hbm>>
    %dma_wait3A_69 = tpu.memref_squeeze %dma_wait3A_68 : memref<1x4096xf32, #tpu.memory_space<hbm>> -> memref<4096xf32, #tpu.memory_space<hbm>>
    %dma_wait3A_70 = arith.constant 8192 : i32
    %dma_wait3A_71 = tpu.memref_slice %arg4[%add3A_8, %dma_wait3A_70] : memref<832x16384xf32, #tpu.memory_space<hbm>> -> memref<1x4096xf32, #tpu.memory_space<hbm>>
    %dma_wait3A_72 = tpu.memref_squeeze %dma_wait3A_71 : memref<1x4096xf32, #tpu.memory_space<hbm>> -> memref<4096xf32, #tpu.memory_space<hbm>>
    tpu.wait_dma2 semaphore(%arg11 : memref<!tpu.dma_semaphore, #tpu.memory_space<semaphore_mem>>) src(%dma_wait3A_72 : memref<4096xf32, #tpu.memory_space<hbm>>) dst(%arg8 : memref<4096xf32, #tpu.memory_space<vmem>>)
    %parallel_loop3A_73 = arith.constant 0 : i32
    %parallel_loop3A_74 = arith.constant 256 : i32
    %parallel_loop3A_75 = arith.constant 1 : i32
    scf.for %parallel_loop3A_136 = %parallel_loop3A_73 to %parallel_loop3A_74 step %parallel_loop3A_75  : i32 {
      %parallel_loop3A_137 = arith.constant 16 : i32
      %parallel_loop3A_138 = arith.muli %parallel_loop3A_136, %parallel_loop3A_137 : i32
      %parallel_loop3A_139 = arith.index_cast %parallel_loop3A_138 : i32 to index
      %parallel_loop3A_140 = tpu.vector_load %arg6[%parallel_loop3A_139] {strides = array<i32>} : memref<4096xi32, #tpu.memory_space<vmem>>, vector<16xi32>,
      %parallel_loop3A_141 = tpu.vector_load_idx %arg5[%parallel_loop3A_140] : memref<100000xf32, #tpu.memory_space<vmem>>[vector<16xi32>], vector<16xf32>,
      %parallel_loop3A_142 = arith.index_cast %parallel_loop3A_138 : i32 to index
      %parallel_loop3A_143 = tpu.vector_load %arg8[%parallel_loop3A_142] {strides = array<i32>} : memref<4096xf32, #tpu.memory_space<vmem>>, vector<16xf32>,
      tpu.vector_store %arg8[%parallel_loop3A_142], %parallel_loop3A_141 {strides = array<i32>} : memref<4096xf32, #tpu.memory_space<vmem>>, vector<16xf32>,
    } {sc.loop_unroll_factor = 8 : i64, sc.parallel_access}
    %dma_start3A_76 = arith.constant 8192 : i32
    %dma_start3A_77 = tpu.memref_slice %arg4[%add3A_8, %dma_start3A_76] : memref<832x16384xf32, #tpu.memory_space<hbm>> -> memref<1x4096xf32, #tpu.memory_space<hbm>>
    %dma_start3A_78 = tpu.memref_squeeze %dma_start3A_77 : memref<1x4096xf32, #tpu.memory_space<hbm>> -> memref<4096xf32, #tpu.memory_space<hbm>>
    %dma_start3A_79 = arith.constant 8192 : i32
    %dma_start3A_80 = tpu.memref_slice %arg4[%add3A_8, %dma_start3A_79] : memref<832x16384xf32, #tpu.memory_space<hbm>> -> memref<1x4096xf32, #tpu.memory_space<hbm>>
    %dma_start3A_81 = tpu.memref_squeeze %dma_start3A_80 : memref<1x4096xf32, #tpu.memory_space<hbm>> -> memref<4096xf32, #tpu.memory_space<hbm>>
    tpu.enqueue_dma source(%arg8 : memref<4096xf32, #tpu.memory_space<vmem>>) target(%dma_start3A_81 : memref<4096xf32, #tpu.memory_space<hbm>>) target_semaphore(%arg11 : memref<!tpu.dma_semaphore, #tpu.memory_space<semaphore_mem>>)
    %dma_wait3A_82 = arith.constant 0 : i32
    %dma_wait3A_83 = arith.constant 12288 : i32
    %dma_wait3A_84 = tpu.memref_slice %arg2[%dma_wait3A_82, %dma_wait3A_83] : memref<26x16384xi32, #tpu.memory_space<hbm>> -> memref<1x4096xi32, #tpu.memory_space<hbm>>
    %dma_wait3A_85 = tpu.memref_squeeze %dma_wait3A_84 : memref<1x4096xi32, #tpu.memory_space<hbm>> -> memref<4096xi32, #tpu.memory_space<hbm>>
    %dma_wait3A_86 = arith.constant 12288 : i32
    %dma_wait3A_87 = tpu.memref_slice %arg2[%dma_wait3A_82, %dma_wait3A_86] : memref<26x16384xi32, #tpu.memory_space<hbm>> -> memref<1x4096xi32, #tpu.memory_space<hbm>>
    %dma_wait3A_88 = tpu.memref_squeeze %dma_wait3A_87 : memref<1x4096xi32, #tpu.memory_space<hbm>> -> memref<4096xi32, #tpu.memory_space<hbm>>
    tpu.wait_dma2 semaphore(%arg10 : memref<!tpu.dma_semaphore, #tpu.memory_space<semaphore_mem>>) src(%dma_wait3A_88 : memref<4096xi32, #tpu.memory_space<hbm>>) dst(%arg7 : memref<4096xi32, #tpu.memory_space<vmem>>)
    %min3A = arith.constant 1 : i32
    %min3A_89 = arith.constant 25 : i32
    %min3A_90 = arith.minsi %min3A, %min3A_89 : i32
    %dma_start3A_91 = arith.constant 0 : i32
    %dma_start3A_92 = tpu.memref_slice %arg2[%min3A_90, %dma_start3A_91] : memref<26x16384xi32, #tpu.memory_space<hbm>> -> memref<1x4096xi32, #tpu.memory_space<hbm>>
    %dma_start3A_93 = tpu.memref_squeeze %dma_start3A_92 : memref<1x4096xi32, #tpu.memory_space<hbm>> -> memref<4096xi32, #tpu.memory_space<hbm>>
    %dma_start3A_94 = arith.constant 0 : i32
    %dma_start3A_95 = tpu.memref_slice %arg2[%min3A_90, %dma_start3A_94] : memref<26x16384xi32, #tpu.memory_space<hbm>> -> memref<1x4096xi32, #tpu.memory_space<hbm>>
    %dma_start3A_96 = tpu.memref_squeeze %dma_start3A_95 : memref<1x4096xi32, #tpu.memory_space<hbm>> -> memref<4096xi32, #tpu.memory_space<hbm>>
    tpu.enqueue_dma source(%dma_start3A_96 : memref<4096xi32, #tpu.memory_space<hbm>>) target(%arg6 : memref<4096xi32, #tpu.memory_space<vmem>>) target_semaphore(%arg10 : memref<!tpu.dma_semaphore, #tpu.memory_space<semaphore_mem>>)
    %dma_wait3A_97 = arith.constant 12288 : i32
    %dma_wait3A_98 = tpu.memref_slice %arg4[%add3A_8, %dma_wait3A_97] : memref<832x16384xf32, #tpu.memory_space<hbm>> -> memref<1x4096xf32, #tpu.memory_space<hbm>>
    %dma_wait3A_99 = tpu.memref_squeeze %dma_wait3A_98 : memref<1x4096xf32, #tpu.memory_space<hbm>> -> memref<4096xf32, #tpu.memory_space<hbm>>
    %dma_wait3A_100 = arith.constant 12288 : i32
    %dma_wait3A_101 = tpu.memref_slice %arg4[%add3A_8, %dma_wait3A_100] : memref<832x16384xf32, #tpu.memory_space<hbm>> -> memref<1x4096xf32, #tpu.memory_space<hbm>>
    %dma_wait3A_102 = tpu.memref_squeeze %dma_wait3A_101 : memref<1x4096xf32, #tpu.memory_space<hbm>> -> memref<4096xf32, #tpu.memory_space<hbm>>
    tpu.wait_dma2 semaphore(%arg11 : memref<!tpu.dma_semaphore, #tpu.memory_space<semaphore_mem>>) src(%dma_wait3A_102 : memref<4096xf32, #tpu.memory_space<hbm>>) dst(%arg9 : memref<4096xf32, #tpu.memory_space<vmem>>)
    %parallel_loop3A_103 = arith.constant 0 : i32
    %parallel_loop3A_104 = arith.constant 256 : i32
    %parallel_loop3A_105 = arith.constant 1 : i32
    scf.for %parallel_loop3A_136 = %parallel_loop3A_103 to %parallel_loop3A_104 step %parallel_loop3A_105  : i32 {
      %parallel_loop3A_137 = arith.constant 16 : i32
      %parallel_loop3A_138 = arith.muli %parallel_loop3A_136, %parallel_loop3A_137 : i32
      %parallel_loop3A_139 = arith.index_cast %parallel_loop3A_138 : i32 to index
      %parallel_loop3A_140 = tpu.vector_load %arg7[%parallel_loop3A_139] {strides = array<i32>} : memref<4096xi32, #tpu.memory_space<vmem>>, vector<16xi32>,
      %parallel_loop3A_141 = tpu.vector_load_idx %arg5[%parallel_loop3A_140] : memref<100000xf32, #tpu.memory_space<vmem>>[vector<16xi32>], vector<16xf32>,
      %parallel_loop3A_142 = arith.index_cast %parallel_loop3A_138 : i32 to index
      %parallel_loop3A_143 = tpu.vector_load %arg9[%parallel_loop3A_142] {strides = array<i32>} : memref<4096xf32, #tpu.memory_space<vmem>>, vector<16xf32>,
      tpu.vector_store %arg9[%parallel_loop3A_142], %parallel_loop3A_141 {strides = array<i32>} : memref<4096xf32, #tpu.memory_space<vmem>>, vector<16xf32>,
    } {sc.loop_unroll_factor = 8 : i64, sc.parallel_access}
    %dma_start3A_106 = arith.constant 12288 : i32
    %dma_start3A_107 = tpu.memref_slice %arg4[%add3A_8, %dma_start3A_106] : memref<832x16384xf32, #tpu.memory_space<hbm>> -> memref<1x4096xf32, #tpu.memory_space<hbm>>
    %dma_start3A_108 = tpu.memref_squeeze %dma_start3A_107 : memref<1x4096xf32, #tpu.memory_space<hbm>> -> memref<4096xf32, #tpu.memory_space<hbm>>
    %dma_start3A_109 = arith.constant 12288 : i32
    %dma_start3A_110 = tpu.memref_slice %arg4[%add3A_8, %dma_start3A_109] : memref<832x16384xf32, #tpu.memory_space<hbm>> -> memref<1x4096xf32, #tpu.memory_space<hbm>>
    %dma_start3A_111 = tpu.memref_squeeze %dma_start3A_110 : memref<1x4096xf32, #tpu.memory_space<hbm>> -> memref<4096xf32, #tpu.memory_space<hbm>>
    tpu.enqueue_dma source(%arg9 : memref<4096xf32, #tpu.memory_space<vmem>>) target(%dma_start3A_111 : memref<4096xf32, #tpu.memory_space<hbm>>) target_semaphore(%arg11 : memref<!tpu.dma_semaphore, #tpu.memory_space<semaphore_mem>>)
    %scan3A = arith.constant 0 : i32
    %scan3A_112 = arith.constant 1 : i32
    %scan3A_113 = arith.constant 25 : i32
    %scan3A_114 = arith.addi %scan3A_112, %scan3A_113 : i32
    %scan3A_115 = arith.constant 1 : i32
    scf.for %scan3A_136 = %scan3A_112 to %scan3A_114 step %scan3A_115  : i32 {
      %mul3A_137 = arith.constant 32 : i32
      %mul3A_138 = arith.muli %scan3A_136, %mul3A_137 : i32
      %add3A_139 = arith.addi %mul3A_138, %add3A : i32
      "tpu.region"() ({
        %run_scoped3A = tpu.sem_alloc : memref<!tpu.dma_semaphore, #tpu.memory_space<semaphore_mem>>
        %dma_start3A_252 = arith.constant 0 : i32
        %dma_start3A_253 = tpu.memref_slice %arg3[%add3A_139, %dma_start3A_252] : memref<832x100000xf32, #tpu.memory_space<hbm>> -> memref<1x100000xf32, #tpu.memory_space<hbm>>
        %dma_start3A_254 = tpu.memref_squeeze %dma_start3A_253 : memref<1x100000xf32, #tpu.memory_space<hbm>> -> memref<100000xf32, #tpu.memory_space<hbm>>
        %dma_start3A_255 = arith.constant 0 : i32
        %dma_start3A_256 = tpu.memref_slice %arg3[%add3A_139, %dma_start3A_255] : memref<832x100000xf32, #tpu.memory_space<hbm>> -> memref<1x100000xf32, #tpu.memory_space<hbm>>
        %dma_start3A_257 = tpu.memref_squeeze %dma_start3A_256 : memref<1x100000xf32, #tpu.memory_space<hbm>> -> memref<100000xf32, #tpu.memory_space<hbm>>
        tpu.enqueue_dma source(%dma_start3A_257 : memref<100000xf32, #tpu.memory_space<hbm>>) target(%arg5 : memref<100000xf32, #tpu.memory_space<vmem>>) target_semaphore(%run_scoped3A : memref<!tpu.dma_semaphore, #tpu.memory_space<semaphore_mem>>)
        %dma_wait3A_258 = arith.constant 0 : i32
        %dma_wait3A_259 = tpu.memref_slice %arg3[%add3A_139, %dma_wait3A_258] : memref<832x100000xf32, #tpu.memory_space<hbm>> -> memref<1x100000xf32, #tpu.memory_space<hbm>>
        %dma_wait3A_260 = tpu.memref_squeeze %dma_wait3A_259 : memref<1x100000xf32, #tpu.memory_space<hbm>> -> memref<100000xf32, #tpu.memory_space<hbm>>
        %dma_wait3A_261 = arith.constant 0 : i32
        %dma_wait3A_262 = tpu.memref_slice %arg3[%add3A_139, %dma_wait3A_261] : memref<832x100000xf32, #tpu.memory_space<hbm>> -> memref<1x100000xf32, #tpu.memory_space<hbm>>
        %dma_wait3A_263 = tpu.memref_squeeze %dma_wait3A_262 : memref<1x100000xf32, #tpu.memory_space<hbm>> -> memref<100000xf32, #tpu.memory_space<hbm>>
        tpu.wait_dma2 semaphore(%run_scoped3A : memref<!tpu.dma_semaphore, #tpu.memory_space<semaphore_mem>>) src(%dma_wait3A_263 : memref<100000xf32, #tpu.memory_space<hbm>>) dst(%arg5 : memref<100000xf32, #tpu.memory_space<vmem>>)
        tpu.yield
      }) : () -> ()
      %dma_wait3A_140 = arith.constant 0 : i32
      %dma_wait3A_141 = tpu.memref_slice %arg2[%scan3A_136, %dma_wait3A_140] : memref<26x16384xi32, #tpu.memory_space<hbm>> -> memref<1x4096xi32, #tpu.memory_space<hbm>>
      %dma_wait3A_142 = tpu.memref_squeeze %dma_wait3A_141 : memref<1x4096xi32, #tpu.memory_space<hbm>> -> memref<4096xi32, #tpu.memory_space<hbm>>
      %dma_wait3A_143 = arith.constant 0 : i32
      %dma_wait3A_144 = tpu.memref_slice %arg2[%scan3A_136, %dma_wait3A_143] : memref<26x16384xi32, #tpu.memory_space<hbm>> -> memref<1x4096xi32, #tpu.memory_space<hbm>>
      %dma_wait3A_145 = tpu.memref_squeeze %dma_wait3A_144 : memref<1x4096xi32, #tpu.memory_space<hbm>> -> memref<4096xi32, #tpu.memory_space<hbm>>
      tpu.wait_dma2 semaphore(%arg10 : memref<!tpu.dma_semaphore, #tpu.memory_space<semaphore_mem>>) src(%dma_wait3A_145 : memref<4096xi32, #tpu.memory_space<hbm>>) dst(%arg6 : memref<4096xi32, #tpu.memory_space<vmem>>)
      %dma_start3A_146 = arith.constant 4096 : i32
      %dma_start3A_147 = tpu.memref_slice %arg2[%scan3A_136, %dma_start3A_146] : memref<26x16384xi32, #tpu.memory_space<hbm>> -> memref<1x4096xi32, #tpu.memory_space<hbm>>
      %dma_start3A_148 = tpu.memref_squeeze %dma_start3A_147 : memref<1x4096xi32, #tpu.memory_space<hbm>> -> memref<4096xi32, #tpu.memory_space<hbm>>
      %dma_start3A_149 = arith.constant 4096 : i32
      %dma_start3A_150 = tpu.memref_slice %arg2[%scan3A_136, %dma_start3A_149] : memref<26x16384xi32, #tpu.memory_space<hbm>> -> memref<1x4096xi32, #tpu.memory_space<hbm>>
      %dma_start3A_151 = tpu.memref_squeeze %dma_start3A_150 : memref<1x4096xi32, #tpu.memory_space<hbm>> -> memref<4096xi32, #tpu.memory_space<hbm>>
      tpu.enqueue_dma source(%dma_start3A_151 : memref<4096xi32, #tpu.memory_space<hbm>>) target(%arg7 : memref<4096xi32, #tpu.memory_space<vmem>>) target_semaphore(%arg10 : memref<!tpu.dma_semaphore, #tpu.memory_space<semaphore_mem>>)
      %dma_wait3A_152 = arith.constant 0 : i32
      %dma_wait3A_153 = tpu.memref_slice %arg4[%add3A_139, %dma_wait3A_152] : memref<832x16384xf32, #tpu.memory_space<hbm>> -> memref<1x4096xf32, #tpu.memory_space<hbm>>
      %dma_wait3A_154 = tpu.memref_squeeze %dma_wait3A_153 : memref<1x4096xf32, #tpu.memory_space<hbm>> -> memref<4096xf32, #tpu.memory_space<hbm>>
      %dma_wait3A_155 = arith.constant 0 : i32
      %dma_wait3A_156 = tpu.memref_slice %arg4[%add3A_139, %dma_wait3A_155] : memref<832x16384xf32, #tpu.memory_space<hbm>> -> memref<1x4096xf32, #tpu.memory_space<hbm>>
      %dma_wait3A_157 = tpu.memref_squeeze %dma_wait3A_156 : memref<1x4096xf32, #tpu.memory_space<hbm>> -> memref<4096xf32, #tpu.memory_space<hbm>>
      tpu.wait_dma2 semaphore(%arg11 : memref<!tpu.dma_semaphore, #tpu.memory_space<semaphore_mem>>) src(%dma_wait3A_157 : memref<4096xf32, #tpu.memory_space<hbm>>) dst(%arg8 : memref<4096xf32, #tpu.memory_space<vmem>>)
      %parallel_loop3A_158 = arith.constant 0 : i32
      %parallel_loop3A_159 = arith.constant 256 : i32
      %parallel_loop3A_160 = arith.constant 1 : i32
      scf.for %parallel_loop3A_252 = %parallel_loop3A_158 to %parallel_loop3A_159 step %parallel_loop3A_160  : i32 {
        %parallel_loop3A_253 = arith.constant 16 : i32
        %parallel_loop3A_254 = arith.muli %parallel_loop3A_252, %parallel_loop3A_253 : i32
        %parallel_loop3A_255 = arith.index_cast %parallel_loop3A_254 : i32 to index
        %parallel_loop3A_256 = tpu.vector_load %arg6[%parallel_loop3A_255] {strides = array<i32>} : memref<4096xi32, #tpu.memory_space<vmem>>, vector<16xi32>,
        %parallel_loop3A_257 = tpu.vector_load_idx %arg5[%parallel_loop3A_256] : memref<100000xf32, #tpu.memory_space<vmem>>[vector<16xi32>], vector<16xf32>,
        %parallel_loop3A_258 = arith.index_cast %parallel_loop3A_254 : i32 to index
        %parallel_loop3A_259 = tpu.vector_load %arg8[%parallel_loop3A_258] {strides = array<i32>} : memref<4096xf32, #tpu.memory_space<vmem>>, vector<16xf32>,
        tpu.vector_store %arg8[%parallel_loop3A_258], %parallel_loop3A_257 {strides = array<i32>} : memref<4096xf32, #tpu.memory_space<vmem>>, vector<16xf32>,
      } {sc.loop_unroll_factor = 8 : i64, sc.parallel_access}
      %dma_start3A_161 = arith.constant 0 : i32
      %dma_start3A_162 = tpu.memref_slice %arg4[%add3A_139, %dma_start3A_161] : memref<832x16384xf32, #tpu.memory_space<hbm>> -> memref<1x4096xf32, #tpu.memory_space<hbm>>
      %dma_start3A_163 = tpu.memref_squeeze %dma_start3A_162 : memref<1x4096xf32, #tpu.memory_space<hbm>> -> memref<4096xf32, #tpu.memory_space<hbm>>
      %dma_start3A_164 = arith.constant 0 : i32
      %dma_start3A_165 = tpu.memref_slice %arg4[%add3A_139, %dma_start3A_164] : memref<832x16384xf32, #tpu.memory_space<hbm>> -> memref<1x4096xf32, #tpu.memory_space<hbm>>
      %dma_start3A_166 = tpu.memref_squeeze %dma_start3A_165 : memref<1x4096xf32, #tpu.memory_space<hbm>> -> memref<4096xf32, #tpu.memory_space<hbm>>
      tpu.enqueue_dma source(%arg8 : memref<4096xf32, #tpu.memory_space<vmem>>) target(%dma_start3A_166 : memref<4096xf32, #tpu.memory_space<hbm>>) target_semaphore(%arg11 : memref<!tpu.dma_semaphore, #tpu.memory_space<semaphore_mem>>)
      %dma_wait3A_167 = arith.constant 4096 : i32
      %dma_wait3A_168 = tpu.memref_slice %arg2[%scan3A_136, %dma_wait3A_167] : memref<26x16384xi32, #tpu.memory_space<hbm>> -> memref<1x4096xi32, #tpu.memory_space<hbm>>
      %dma_wait3A_169 = tpu.memref_squeeze %dma_wait3A_168 : memref<1x4096xi32, #tpu.memory_space<hbm>> -> memref<4096xi32, #tpu.memory_space<hbm>>
      %dma_wait3A_170 = arith.constant 4096 : i32
      %dma_wait3A_171 = tpu.memref_slice %arg2[%scan3A_136, %dma_wait3A_170] : memref<26x16384xi32, #tpu.memory_space<hbm>> -> memref<1x4096xi32, #tpu.memory_space<hbm>>
      %dma_wait3A_172 = tpu.memref_squeeze %dma_wait3A_171 : memref<1x4096xi32, #tpu.memory_space<hbm>> -> memref<4096xi32, #tpu.memory_space<hbm>>
      tpu.wait_dma2 semaphore(%arg10 : memref<!tpu.dma_semaphore, #tpu.memory_space<semaphore_mem>>) src(%dma_wait3A_172 : memref<4096xi32, #tpu.memory_space<hbm>>) dst(%arg7 : memref<4096xi32, #tpu.memory_space<vmem>>)
      %dma_start3A_173 = arith.constant 8192 : i32
      %dma_start3A_174 = tpu.memref_slice %arg2[%scan3A_136, %dma_start3A_173] : memref<26x16384xi32, #tpu.memory_space<hbm>> -> memref<1x4096xi32, #tpu.memory_space<hbm>>
      %dma_start3A_175 = tpu.memref_squeeze %dma_start3A_174 : memref<1x4096xi32, #tpu.memory_space<hbm>> -> memref<4096xi32, #tpu.memory_space<hbm>>
      %dma_start3A_176 = arith.constant 8192 : i32
      %dma_start3A_177 = tpu.memref_slice %arg2[%scan3A_136, %dma_start3A_176] : memref<26x16384xi32, #tpu.memory_space<hbm>> -> memref<1x4096xi32, #tpu.memory_space<hbm>>
      %dma_start3A_178 = tpu.memref_squeeze %dma_start3A_177 : memref<1x4096xi32, #tpu.memory_space<hbm>> -> memref<4096xi32, #tpu.memory_space<hbm>>
      tpu.enqueue_dma source(%dma_start3A_178 : memref<4096xi32, #tpu.memory_space<hbm>>) target(%arg6 : memref<4096xi32, #tpu.memory_space<vmem>>) target_semaphore(%arg10 : memref<!tpu.dma_semaphore, #tpu.memory_space<semaphore_mem>>)
      %dma_wait3A_179 = arith.constant 4096 : i32
      %dma_wait3A_180 = tpu.memref_slice %arg4[%add3A_139, %dma_wait3A_179] : memref<832x16384xf32, #tpu.memory_space<hbm>> -> memref<1x4096xf32, #tpu.memory_space<hbm>>
      %dma_wait3A_181 = tpu.memref_squeeze %dma_wait3A_180 : memref<1x4096xf32, #tpu.memory_space<hbm>> -> memref<4096xf32, #tpu.memory_space<hbm>>
      %dma_wait3A_182 = arith.constant 4096 : i32
      %dma_wait3A_183 = tpu.memref_slice %arg4[%add3A_139, %dma_wait3A_182] : memref<832x16384xf32, #tpu.memory_space<hbm>> -> memref<1x4096xf32, #tpu.memory_space<hbm>>
      %dma_wait3A_184 = tpu.memref_squeeze %dma_wait3A_183 : memref<1x4096xf32, #tpu.memory_space<hbm>> -> memref<4096xf32, #tpu.memory_space<hbm>>
      tpu.wait_dma2 semaphore(%arg11 : memref<!tpu.dma_semaphore, #tpu.memory_space<semaphore_mem>>) src(%dma_wait3A_184 : memref<4096xf32, #tpu.memory_space<hbm>>) dst(%arg9 : memref<4096xf32, #tpu.memory_space<vmem>>)
      %parallel_loop3A_185 = arith.constant 0 : i32
      %parallel_loop3A_186 = arith.constant 256 : i32
      %parallel_loop3A_187 = arith.constant 1 : i32
      scf.for %parallel_loop3A_252 = %parallel_loop3A_185 to %parallel_loop3A_186 step %parallel_loop3A_187  : i32 {
        %parallel_loop3A_253 = arith.constant 16 : i32
        %parallel_loop3A_254 = arith.muli %parallel_loop3A_252, %parallel_loop3A_253 : i32
        %parallel_loop3A_255 = arith.index_cast %parallel_loop3A_254 : i32 to index
        %parallel_loop3A_256 = tpu.vector_load %arg7[%parallel_loop3A_255] {strides = array<i32>} : memref<4096xi32, #tpu.memory_space<vmem>>, vector<16xi32>,
        %parallel_loop3A_257 = tpu.vector_load_idx %arg5[%parallel_loop3A_256] : memref<100000xf32, #tpu.memory_space<vmem>>[vector<16xi32>], vector<16xf32>,
        %parallel_loop3A_258 = arith.index_cast %parallel_loop3A_254 : i32 to index
        %parallel_loop3A_259 = tpu.vector_load %arg9[%parallel_loop3A_258] {strides = array<i32>} : memref<4096xf32, #tpu.memory_space<vmem>>, vector<16xf32>,
        tpu.vector_store %arg9[%parallel_loop3A_258], %parallel_loop3A_257 {strides = array<i32>} : memref<4096xf32, #tpu.memory_space<vmem>>, vector<16xf32>,
      } {sc.loop_unroll_factor = 8 : i64, sc.parallel_access}
      %dma_start3A_188 = arith.constant 4096 : i32
      %dma_start3A_189 = tpu.memref_slice %arg4[%add3A_139, %dma_start3A_188] : memref<832x16384xf32, #tpu.memory_space<hbm>> -> memref<1x4096xf32, #tpu.memory_space<hbm>>
      %dma_start3A_190 = tpu.memref_squeeze %dma_start3A_189 : memref<1x4096xf32, #tpu.memory_space<hbm>> -> memref<4096xf32, #tpu.memory_space<hbm>>
      %dma_start3A_191 = arith.constant 4096 : i32
      %dma_start3A_192 = tpu.memref_slice %arg4[%add3A_139, %dma_start3A_191] : memref<832x16384xf32, #tpu.memory_space<hbm>> -> memref<1x4096xf32, #tpu.memory_space<hbm>>
      %dma_start3A_193 = tpu.memref_squeeze %dma_start3A_192 : memref<1x4096xf32, #tpu.memory_space<hbm>> -> memref<4096xf32, #tpu.memory_space<hbm>>
      tpu.enqueue_dma source(%arg9 : memref<4096xf32, #tpu.memory_space<vmem>>) target(%dma_start3A_193 : memref<4096xf32, #tpu.memory_space<hbm>>) target_semaphore(%arg11 : memref<!tpu.dma_semaphore, #tpu.memory_space<semaphore_mem>>)
      %dma_wait3A_194 = arith.constant 8192 : i32
      %dma_wait3A_195 = tpu.memref_slice %arg2[%scan3A_136, %dma_wait3A_194] : memref<26x16384xi32, #tpu.memory_space<hbm>> -> memref<1x4096xi32, #tpu.memory_space<hbm>>
      %dma_wait3A_196 = tpu.memref_squeeze %dma_wait3A_195 : memref<1x4096xi32, #tpu.memory_space<hbm>> -> memref<4096xi32, #tpu.memory_space<hbm>>
      %dma_wait3A_197 = arith.constant 8192 : i32
      %dma_wait3A_198 = tpu.memref_slice %arg2[%scan3A_136, %dma_wait3A_197] : memref<26x16384xi32, #tpu.memory_space<hbm>> -> memref<1x4096xi32, #tpu.memory_space<hbm>>
      %dma_wait3A_199 = tpu.memref_squeeze %dma_wait3A_198 : memref<1x4096xi32, #tpu.memory_space<hbm>> -> memref<4096xi32, #tpu.memory_space<hbm>>
      tpu.wait_dma2 semaphore(%arg10 : memref<!tpu.dma_semaphore, #tpu.memory_space<semaphore_mem>>) src(%dma_wait3A_199 : memref<4096xi32, #tpu.memory_space<hbm>>) dst(%arg6 : memref<4096xi32, #tpu.memory_space<vmem>>)
      %dma_start3A_200 = arith.constant 12288 : i32
      %dma_start3A_201 = tpu.memref_slice %arg2[%scan3A_136, %dma_start3A_200] : memref<26x16384xi32, #tpu.memory_space<hbm>> -> memref<1x4096xi32, #tpu.memory_space<hbm>>
      %dma_start3A_202 = tpu.memref_squeeze %dma_start3A_201 : memref<1x4096xi32, #tpu.memory_space<hbm>> -> memref<4096xi32, #tpu.memory_space<hbm>>
      %dma_start3A_203 = arith.constant 12288 : i32
      %dma_start3A_204 = tpu.memref_slice %arg2[%scan3A_136, %dma_start3A_203] : memref<26x16384xi32, #tpu.memory_space<hbm>> -> memref<1x4096xi32, #tpu.memory_space<hbm>>
      %dma_start3A_205 = tpu.memref_squeeze %dma_start3A_204 : memref<1x4096xi32, #tpu.memory_space<hbm>> -> memref<4096xi32, #tpu.memory_space<hbm>>
      tpu.enqueue_dma source(%dma_start3A_205 : memref<4096xi32, #tpu.memory_space<hbm>>) target(%arg7 : memref<4096xi32, #tpu.memory_space<vmem>>) target_semaphore(%arg10 : memref<!tpu.dma_semaphore, #tpu.memory_space<semaphore_mem>>)
      %dma_wait3A_206 = arith.constant 8192 : i32
      %dma_wait3A_207 = tpu.memref_slice %arg4[%add3A_139, %dma_wait3A_206] : memref<832x16384xf32, #tpu.memory_space<hbm>> -> memref<1x4096xf32, #tpu.memory_space<hbm>>
      %dma_wait3A_208 = tpu.memref_squeeze %dma_wait3A_207 : memref<1x4096xf32, #tpu.memory_space<hbm>> -> memref<4096xf32, #tpu.memory_space<hbm>>
      %dma_wait3A_209 = arith.constant 8192 : i32
      %dma_wait3A_210 = tpu.memref_slice %arg4[%add3A_139, %dma_wait3A_209] : memref<832x16384xf32, #tpu.memory_space<hbm>> -> memref<1x4096xf32, #tpu.memory_space<hbm>>
      %dma_wait3A_211 = tpu.memref_squeeze %dma_wait3A_210 : memref<1x4096xf32, #tpu.memory_space<hbm>> -> memref<4096xf32, #tpu.memory_space<hbm>>
      tpu.wait_dma2 semaphore(%arg11 : memref<!tpu.dma_semaphore, #tpu.memory_space<semaphore_mem>>) src(%dma_wait3A_211 : memref<4096xf32, #tpu.memory_space<hbm>>) dst(%arg8 : memref<4096xf32, #tpu.memory_space<vmem>>)
      %parallel_loop3A_212 = arith.constant 0 : i32
      %parallel_loop3A_213 = arith.constant 256 : i32
      %parallel_loop3A_214 = arith.constant 1 : i32
      scf.for %parallel_loop3A_252 = %parallel_loop3A_212 to %parallel_loop3A_213 step %parallel_loop3A_214  : i32 {
        %parallel_loop3A_253 = arith.constant 16 : i32
        %parallel_loop3A_254 = arith.muli %parallel_loop3A_252, %parallel_loop3A_253 : i32
        %parallel_loop3A_255 = arith.index_cast %parallel_loop3A_254 : i32 to index
        %parallel_loop3A_256 = tpu.vector_load %arg6[%parallel_loop3A_255] {strides = array<i32>} : memref<4096xi32, #tpu.memory_space<vmem>>, vector<16xi32>,
        %parallel_loop3A_257 = tpu.vector_load_idx %arg5[%parallel_loop3A_256] : memref<100000xf32, #tpu.memory_space<vmem>>[vector<16xi32>], vector<16xf32>,
        %parallel_loop3A_258 = arith.index_cast %parallel_loop3A_254 : i32 to index
        %parallel_loop3A_259 = tpu.vector_load %arg8[%parallel_loop3A_258] {strides = array<i32>} : memref<4096xf32, #tpu.memory_space<vmem>>, vector<16xf32>,
        tpu.vector_store %arg8[%parallel_loop3A_258], %parallel_loop3A_257 {strides = array<i32>} : memref<4096xf32, #tpu.memory_space<vmem>>, vector<16xf32>,
      } {sc.loop_unroll_factor = 8 : i64, sc.parallel_access}
      %dma_start3A_215 = arith.constant 8192 : i32
      %dma_start3A_216 = tpu.memref_slice %arg4[%add3A_139, %dma_start3A_215] : memref<832x16384xf32, #tpu.memory_space<hbm>> -> memref<1x4096xf32, #tpu.memory_space<hbm>>
      %dma_start3A_217 = tpu.memref_squeeze %dma_start3A_216 : memref<1x4096xf32, #tpu.memory_space<hbm>> -> memref<4096xf32, #tpu.memory_space<hbm>>
      %dma_start3A_218 = arith.constant 8192 : i32
      %dma_start3A_219 = tpu.memref_slice %arg4[%add3A_139, %dma_start3A_218] : memref<832x16384xf32, #tpu.memory_space<hbm>> -> memref<1x4096xf32, #tpu.memory_space<hbm>>
      %dma_start3A_220 = tpu.memref_squeeze %dma_start3A_219 : memref<1x4096xf32, #tpu.memory_space<hbm>> -> memref<4096xf32, #tpu.memory_space<hbm>>
      tpu.enqueue_dma source(%arg8 : memref<4096xf32, #tpu.memory_space<vmem>>) target(%dma_start3A_220 : memref<4096xf32, #tpu.memory_space<hbm>>) target_semaphore(%arg11 : memref<!tpu.dma_semaphore, #tpu.memory_space<semaphore_mem>>)
      %dma_wait3A_221 = arith.constant 12288 : i32
      %dma_wait3A_222 = tpu.memref_slice %arg2[%scan3A_136, %dma_wait3A_221] : memref<26x16384xi32, #tpu.memory_space<hbm>> -> memref<1x4096xi32, #tpu.memory_space<hbm>>
      %dma_wait3A_223 = tpu.memref_squeeze %dma_wait3A_222 : memref<1x4096xi32, #tpu.memory_space<hbm>> -> memref<4096xi32, #tpu.memory_space<hbm>>
      %dma_wait3A_224 = arith.constant 12288 : i32
      %dma_wait3A_225 = tpu.memref_slice %arg2[%scan3A_136, %dma_wait3A_224] : memref<26x16384xi32, #tpu.memory_space<hbm>> -> memref<1x4096xi32, #tpu.memory_space<hbm>>
      %dma_wait3A_226 = tpu.memref_squeeze %dma_wait3A_225 : memref<1x4096xi32, #tpu.memory_space<hbm>> -> memref<4096xi32, #tpu.memory_space<hbm>>
      tpu.wait_dma2 semaphore(%arg10 : memref<!tpu.dma_semaphore, #tpu.memory_space<semaphore_mem>>) src(%dma_wait3A_226 : memref<4096xi32, #tpu.memory_space<hbm>>) dst(%arg7 : memref<4096xi32, #tpu.memory_space<vmem>>)
      %add3A_227 = arith.constant 1 : i32
      %add3A_228 = arith.addi %scan3A_136, %add3A_227 : i32
      %min3A_229 = arith.constant 25 : i32
      %min3A_230 = arith.minsi %add3A_228, %min3A_229 : i32
      %dma_start3A_231 = arith.constant 0 : i32
      %dma_start3A_232 = tpu.memref_slice %arg2[%min3A_230, %dma_start3A_231] : memref<26x16384xi32, #tpu.memory_space<hbm>> -> memref<1x4096xi32, #tpu.memory_space<hbm>>
      %dma_start3A_233 = tpu.memref_squeeze %dma_start3A_232 : memref<1x4096xi32, #tpu.memory_space<hbm>> -> memref<4096xi32, #tpu.memory_space<hbm>>
      %dma_start3A_234 = arith.constant 0 : i32
      %dma_start3A_235 = tpu.memref_slice %arg2[%min3A_230, %dma_start3A_234] : memref<26x16384xi32, #tpu.memory_space<hbm>> -> memref<1x4096xi32, #tpu.memory_space<hbm>>
      %dma_start3A_236 = tpu.memref_squeeze %dma_start3A_235 : memref<1x4096xi32, #tpu.memory_space<hbm>> -> memref<4096xi32, #tpu.memory_space<hbm>>
      tpu.enqueue_dma source(%dma_start3A_236 : memref<4096xi32, #tpu.memory_space<hbm>>) target(%arg6 : memref<4096xi32, #tpu.memory_space<vmem>>) target_semaphore(%arg10 : memref<!tpu.dma_semaphore, #tpu.memory_space<semaphore_mem>>)
      %dma_wait3A_237 = arith.constant 12288 : i32
      %dma_wait3A_238 = tpu.memref_slice %arg4[%add3A_139, %dma_wait3A_237] : memref<832x16384xf32, #tpu.memory_space<hbm>> -> memref<1x4096xf32, #tpu.memory_space<hbm>>
      %dma_wait3A_239 = tpu.memref_squeeze %dma_wait3A_238 : memref<1x4096xf32, #tpu.memory_space<hbm>> -> memref<4096xf32, #tpu.memory_space<hbm>>
      %dma_wait3A_240 = arith.constant 12288 : i32
      %dma_wait3A_241 = tpu.memref_slice %arg4[%add3A_139, %dma_wait3A_240] : memref<832x16384xf32, #tpu.memory_space<hbm>> -> memref<1x4096xf32, #tpu.memory_space<hbm>>
      %dma_wait3A_242 = tpu.memref_squeeze %dma_wait3A_241 : memref<1x4096xf32, #tpu.memory_space<hbm>> -> memref<4096xf32, #tpu.memory_space<hbm>>
      tpu.wait_dma2 semaphore(%arg11 : memref<!tpu.dma_semaphore, #tpu.memory_space<semaphore_mem>>) src(%dma_wait3A_242 : memref<4096xf32, #tpu.memory_space<hbm>>) dst(%arg9 : memref<4096xf32, #tpu.memory_space<vmem>>)
      %parallel_loop3A_243 = arith.constant 0 : i32
      %parallel_loop3A_244 = arith.constant 256 : i32
      %parallel_loop3A_245 = arith.constant 1 : i32
      scf.for %parallel_loop3A_252 = %parallel_loop3A_243 to %parallel_loop3A_244 step %parallel_loop3A_245  : i32 {
        %parallel_loop3A_253 = arith.constant 16 : i32
        %parallel_loop3A_254 = arith.muli %parallel_loop3A_252, %parallel_loop3A_253 : i32
        %parallel_loop3A_255 = arith.index_cast %parallel_loop3A_254 : i32 to index
        %parallel_loop3A_256 = tpu.vector_load %arg7[%parallel_loop3A_255] {strides = array<i32>} : memref<4096xi32, #tpu.memory_space<vmem>>, vector<16xi32>,
        %parallel_loop3A_257 = tpu.vector_load_idx %arg5[%parallel_loop3A_256] : memref<100000xf32, #tpu.memory_space<vmem>>[vector<16xi32>], vector<16xf32>,
        %parallel_loop3A_258 = arith.index_cast %parallel_loop3A_254 : i32 to index
        %parallel_loop3A_259 = tpu.vector_load %arg9[%parallel_loop3A_258] {strides = array<i32>} : memref<4096xf32, #tpu.memory_space<vmem>>, vector<16xf32>,
        tpu.vector_store %arg9[%parallel_loop3A_258], %parallel_loop3A_257 {strides = array<i32>} : memref<4096xf32, #tpu.memory_space<vmem>>, vector<16xf32>,
      } {sc.loop_unroll_factor = 8 : i64, sc.parallel_access}
      %dma_start3A_246 = arith.constant 12288 : i32
      %dma_start3A_247 = tpu.memref_slice %arg4[%add3A_139, %dma_start3A_246] : memref<832x16384xf32, #tpu.memory_space<hbm>> -> memref<1x4096xf32, #tpu.memory_space<hbm>>
      %dma_start3A_248 = tpu.memref_squeeze %dma_start3A_247 : memref<1x4096xf32, #tpu.memory_space<hbm>> -> memref<4096xf32, #tpu.memory_space<hbm>>
      %dma_start3A_249 = arith.constant 12288 : i32
      %dma_start3A_250 = tpu.memref_slice %arg4[%add3A_139, %dma_start3A_249] : memref<832x16384xf32, #tpu.memory_space<hbm>> -> memref<1x4096xf32, #tpu.memory_space<hbm>>
      %dma_start3A_251 = tpu.memref_squeeze %dma_start3A_250 : memref<1x4096xf32, #tpu.memory_space<hbm>> -> memref<4096xf32, #tpu.memory_space<hbm>>
      tpu.enqueue_dma source(%arg9 : memref<4096xf32, #tpu.memory_space<vmem>>) target(%dma_start3A_251 : memref<4096xf32, #tpu.memory_space<hbm>>) target_semaphore(%arg11 : memref<!tpu.dma_semaphore, #tpu.memory_space<semaphore_mem>>)
    }
    %scan3A_116 = arith.constant 25 : i32
    %dma_wait3A_117 = arith.constant 0 : i32
    %dma_wait3A_118 = tpu.memref_slice %arg4[%add3A, %dma_wait3A_117] : memref<832x16384xf32, #tpu.memory_space<hbm>> -> memref<1x4096xf32, #tpu.memory_space<hbm>>
    %dma_wait3A_119 = tpu.memref_squeeze %dma_wait3A_118 : memref<1x4096xf32, #tpu.memory_space<hbm>> -> memref<4096xf32, #tpu.memory_space<hbm>>
    %dma_wait3A_120 = arith.constant 0 : i32
    %dma_wait3A_121 = tpu.memref_slice %arg4[%add3A, %dma_wait3A_120] : memref<832x16384xf32, #tpu.memory_space<hbm>> -> memref<1x4096xf32, #tpu.memory_space<hbm>>
    %dma_wait3A_122 = tpu.memref_squeeze %dma_wait3A_121 : memref<1x4096xf32, #tpu.memory_space<hbm>> -> memref<4096xf32, #tpu.memory_space<hbm>>
    tpu.wait_dma2 semaphore(%arg11 : memref<!tpu.dma_semaphore, #tpu.memory_space<semaphore_mem>>) src(%dma_wait3A_122 : memref<4096xf32, #tpu.memory_space<hbm>>) dst(%arg8 : memref<4096xf32, #tpu.memory_space<vmem>>)
    %dma_wait3A_123 = arith.constant 0 : i32
    %dma_wait3A_124 = tpu.memref_slice %arg4[%add3A, %dma_wait3A_123] : memref<832x16384xf32, #tpu.memory_space<hbm>> -> memref<1x4096xf32, #tpu.memory_space<hbm>>
    %dma_wait3A_125 = tpu.memref_squeeze %dma_wait3A_124 : memref<1x4096xf32, #tpu.memory_space<hbm>> -> memref<4096xf32, #tpu.memory_space<hbm>>
    %dma_wait3A_126 = arith.constant 0 : i32
    %dma_wait3A_127 = tpu.memref_slice %arg4[%add3A, %dma_wait3A_126] : memref<832x16384xf32, #tpu.memory_space<hbm>> -> memref<1x4096xf32, #tpu.memory_space<hbm>>
    %dma_wait3A_128 = tpu.memref_squeeze %dma_wait3A_127 : memref<1x4096xf32, #tpu.memory_space<hbm>> -> memref<4096xf32, #tpu.memory_space<hbm>>
    tpu.wait_dma2 semaphore(%arg11 : memref<!tpu.dma_semaphore, #tpu.memory_space<semaphore_mem>>) src(%dma_wait3A_128 : memref<4096xf32, #tpu.memory_space<hbm>>) dst(%arg9 : memref<4096xf32, #tpu.memory_space<vmem>>)
    %dma_wait3A_129 = arith.constant 0 : i32
    %dma_wait3A_130 = arith.constant 0 : i32
    %dma_wait3A_131 = tpu.memref_slice %arg2[%dma_wait3A_129, %dma_wait3A_130] : memref<26x16384xi32, #tpu.memory_space<hbm>> -> memref<1x4096xi32, #tpu.memory_space<hbm>>
    %dma_wait3A_132 = tpu.memref_squeeze %dma_wait3A_131 : memref<1x4096xi32, #tpu.memory_space<hbm>> -> memref<4096xi32, #tpu.memory_space<hbm>>
    %dma_wait3A_133 = arith.constant 0 : i32
    %dma_wait3A_134 = tpu.memref_slice %arg2[%dma_wait3A_129, %dma_wait3A_133] : memref<26x16384xi32, #tpu.memory_space<hbm>> -> memref<1x4096xi32, #tpu.memory_space<hbm>>
    %dma_wait3A_135 = tpu.memref_squeeze %dma_wait3A_134 : memref<1x4096xi32, #tpu.memory_space<hbm>> -> memref<4096xi32, #tpu.memory_space<hbm>>
    tpu.wait_dma2 semaphore(%arg10 : memref<!tpu.dma_semaphore, #tpu.memory_space<semaphore_mem>>) src(%dma_wait3A_135 : memref<4096xi32, #tpu.memory_space<hbm>>) dst(%arg6 : memref<4096xi32, #tpu.memory_space<vmem>>)
    return
  }
}

module attributes {stable_mosaic.version = 14 : i64} {
  func.func @_mlp_body(%arg0: i32, %arg1: memref<832x2048xf32, #tpu.memory_space<vmem>>, %arg2: memref<128x832xf32, #tpu.memory_space<vmem>>, %arg3: memref<128x1xf32, #tpu.memory_space<vmem>>, %arg4: memref<128x128xf32, #tpu.memory_space<vmem>>, %arg5: memref<128x1xf32, #tpu.memory_space<vmem>>, %arg6: memref<128x128xf32, #tpu.memory_space<vmem>>, %arg7: memref<1x128xf32, #tpu.memory_space<vmem>>, %arg8: memref<2048x128xf32, #tpu.memory_space<vmem>>) attributes {dimension_semantics = [#tpu.dimension_semantics<arbitrary>], iteration_bounds = array<i64: 8>, scalar_prefetch = 0 : i64, scratch_operands = 0 : i64, tpu.core_type = #tpu.core_type<tc>, window_params = [{transform_indices = @transform_0, window_bounds = array<i64: 832, 2048>}, {pipeline_mode = #tpu.pipeline_mode<synchronous>, transform_indices = @transform_1, window_bounds = array<i64: 128, 832>}, {pipeline_mode = #tpu.pipeline_mode<synchronous>, transform_indices = @transform_2, window_bounds = array<i64: 128, 1>}, {pipeline_mode = #tpu.pipeline_mode<synchronous>, transform_indices = @transform_3, window_bounds = array<i64: 128, 128>}, {pipeline_mode = #tpu.pipeline_mode<synchronous>, transform_indices = @transform_4, window_bounds = array<i64: 128, 1>}, {pipeline_mode = #tpu.pipeline_mode<synchronous>, transform_indices = @transform_5, window_bounds = array<i64: 128, 128>}, {pipeline_mode = #tpu.pipeline_mode<synchronous>, transform_indices = @transform_6, window_bounds = array<i64: 1, 128>}, {transform_indices = @transform_7, window_bounds = array<i64: 2048, 128>}]} {
    %get3A = arith.constant 0 : index
    %get3A_0 = arith.constant 0 : index
    %get3A_1 = vector.load %arg1[%get3A, %get3A_0] : memref<832x2048xf32, #tpu.memory_space<vmem>>, vector<832x2048xf32>
    %get3A_2 = arith.constant 0 : index
    %get3A_3 = arith.constant 0 : index
    %get3A_4 = vector.load %arg2[%get3A_2, %get3A_3] : memref<128x832xf32, #tpu.memory_space<vmem>>, vector<128x832xf32>
    %dot_general3A = arith.constant dense<0.000000e+00> : vector<128x2048xf32>
    %dot_general3A_5 = tpu.matmul %get3A_4, %get3A_1, %dot_general3A {dimension_numbers = #tpu.dot_dimension_numbers<[1], [0], [0], [1], [0, 0, 1, 1], [], []>, transpose_lhs_hint = false} : vector<128x832xf32>, vector<832x2048xf32>, vector<128x2048xf32> -> vector<128x2048xf32>
    %get3A_6 = arith.constant 0 : index
    %get3A_7 = arith.constant 0 : index
    %get3A_8 = vector.load %arg3[%get3A_6, %get3A_7] : memref<128x1xf32, #tpu.memory_space<vmem>>, vector<128x1xf32>
    %add3A = vector.broadcast %get3A_8 : vector<128x1xf32> to vector<128x2048xf32>
    %add3A_9 = arith.addf %dot_general3A_5, %add3A : vector<128x2048xf32>
    %mul3A = arith.constant 5.000000e-01 : f32
    %mul3A_10 = vector.broadcast %mul3A : f32 to vector<128x2048xf32>
    %mul3A_11 = arith.mulf %mul3A_10, %add3A_9 : vector<128x2048xf32>
    %mul3A_12 = arith.constant 0.707106769 : f32
    %mul3A_13 = vector.broadcast %mul3A_12 : f32 to vector<128x2048xf32>
    %mul3A_14 = arith.mulf %add3A_9, %mul3A_13 : vector<128x2048xf32>
    %erf3A = math.erf %mul3A_14 : vector<128x2048xf32>
    %add3A_15 = arith.constant 1.000000e+00 : f32
    %add3A_16 = vector.broadcast %add3A_15 : f32 to vector<128x2048xf32>
    %add3A_17 = arith.addf %add3A_16, %erf3A : vector<128x2048xf32>
    %mul3A_18 = arith.mulf %mul3A_11, %add3A_17 : vector<128x2048xf32>
    %get3A_19 = arith.constant 0 : index
    %get3A_20 = arith.constant 0 : index
    %get3A_21 = vector.load %arg4[%get3A_19, %get3A_20] : memref<128x128xf32, #tpu.memory_space<vmem>>, vector<128x128xf32>
    %dot_general3A_22 = arith.constant dense<0.000000e+00> : vector<128x2048xf32>
    %dot_general3A_23 = tpu.matmul %get3A_21, %mul3A_18, %dot_general3A_22 {dimension_numbers = #tpu.dot_dimension_numbers<[1], [0], [0], [1], [0, 0, 1, 1], [], []>, transpose_lhs_hint = false} : vector<128x128xf32>, vector<128x2048xf32>, vector<128x2048xf32> -> vector<128x2048xf32>
    %get3A_24 = arith.constant 0 : index
    %get3A_25 = arith.constant 0 : index
    %get3A_26 = vector.load %arg5[%get3A_24, %get3A_25] : memref<128x1xf32, #tpu.memory_space<vmem>>, vector<128x1xf32>
    %add3A_27 = vector.broadcast %get3A_26 : vector<128x1xf32> to vector<128x2048xf32>
    %add3A_28 = arith.addf %dot_general3A_23, %add3A_27 : vector<128x2048xf32>
    %mul3A_29 = arith.constant 5.000000e-01 : f32
    %mul3A_30 = vector.broadcast %mul3A_29 : f32 to vector<128x2048xf32>
    %mul3A_31 = arith.mulf %mul3A_30, %add3A_28 : vector<128x2048xf32>
    %mul3A_32 = arith.constant 0.707106769 : f32
    %mul3A_33 = vector.broadcast %mul3A_32 : f32 to vector<128x2048xf32>
    %mul3A_34 = arith.mulf %add3A_28, %mul3A_33 : vector<128x2048xf32>
    %erf3A_35 = math.erf %mul3A_34 : vector<128x2048xf32>
    %add3A_36 = arith.constant 1.000000e+00 : f32
    %add3A_37 = vector.broadcast %add3A_36 : f32 to vector<128x2048xf32>
    %add3A_38 = arith.addf %add3A_37, %erf3A_35 : vector<128x2048xf32>
    %mul3A_39 = arith.mulf %mul3A_31, %add3A_38 : vector<128x2048xf32>
    %get3A_40 = arith.constant 0 : index
    %get3A_41 = arith.constant 0 : index
    %get3A_42 = vector.load %arg6[%get3A_40, %get3A_41] : memref<128x128xf32, #tpu.memory_space<vmem>>, vector<128x128xf32>
    %dot_general3A_43 = arith.constant dense<0.000000e+00> : vector<2048x128xf32>
    %dot_general3A_44 = tpu.matmul %mul3A_39, %get3A_42, %dot_general3A_43 {dimension_numbers = #tpu.dot_dimension_numbers<[0], [0], [1], [1], [0, 1, 1, 1], [], []>, transpose_lhs_hint = false} : vector<128x2048xf32>, vector<128x128xf32>, vector<2048x128xf32> -> vector<2048x128xf32>
    %get3A_45 = arith.constant 0 : index
    %get3A_46 = arith.constant 0 : index
    %get3A_47 = vector.load %arg7[%get3A_45, %get3A_46] : memref<1x128xf32, #tpu.memory_space<vmem>>, vector<1x128xf32>
    %add3A_48 = vector.broadcast %get3A_47 : vector<1x128xf32> to vector<2048x128xf32>
    %add3A_49 = arith.addf %dot_general3A_44, %add3A_48 : vector<2048x128xf32>
    %swap3A = arith.constant 0 : index
    %swap3A_50 = arith.constant 0 : index
    %swap3A_51 = vector.load %arg8[%swap3A, %swap3A_50] : memref<2048x128xf32, #tpu.memory_space<vmem>>, vector<2048x128xf32>
    tpu.vector_store %arg8[%swap3A, %swap3A_50], %add3A_49 {strides = array<i32>} : memref<2048x128xf32, #tpu.memory_space<vmem>>, vector<2048x128xf32>,
    return
  }
  func.func @transform_0(%arg0: i32) -> (i32, i32) {
    %c0_i32 = arith.constant 0 : i32
    %c0_i32_0 = arith.constant 0 : i32
    return %c0_i32, %arg0 : i32, i32
  }
  func.func @transform_1(%arg0: i32) -> (i32, i32) {
    %c0_i32 = arith.constant 0 : i32
    %c0_i32_0 = arith.constant 0 : i32
    %c0_i32_1 = arith.constant 0 : i32
    return %c0_i32, %c0_i32_0 : i32, i32
  }
  func.func @transform_2(%arg0: i32) -> (i32, i32) {
    %c0_i32 = arith.constant 0 : i32
    %c0_i32_0 = arith.constant 0 : i32
    %c0_i32_1 = arith.constant 0 : i32
    return %c0_i32, %c0_i32_0 : i32, i32
  }
  func.func @transform_3(%arg0: i32) -> (i32, i32) {
    %c0_i32 = arith.constant 0 : i32
    %c0_i32_0 = arith.constant 0 : i32
    %c0_i32_1 = arith.constant 0 : i32
    return %c0_i32, %c0_i32_0 : i32, i32
  }
  func.func @transform_4(%arg0: i32) -> (i32, i32) {
    %c0_i32 = arith.constant 0 : i32
    %c0_i32_0 = arith.constant 0 : i32
    %c0_i32_1 = arith.constant 0 : i32
    return %c0_i32, %c0_i32_0 : i32, i32
  }
  func.func @transform_5(%arg0: i32) -> (i32, i32) {
    %c0_i32 = arith.constant 0 : i32
    %c0_i32_0 = arith.constant 0 : i32
    %c0_i32_1 = arith.constant 0 : i32
    return %c0_i32, %c0_i32_0 : i32, i32
  }
  func.func @transform_6(%arg0: i32) -> (i32, i32) {
    %c0_i32 = arith.constant 0 : i32
    %c0_i32_0 = arith.constant 0 : i32
    %c0_i32_1 = arith.constant 0 : i32
    return %c0_i32, %c0_i32_0 : i32, i32
  }
  func.func @transform_7(%arg0: i32) -> (i32, i32) {
    %c0_i32 = arith.constant 0 : i32
    %c0_i32_0 = arith.constant 0 : i32
    return %arg0, %c0_i32 : i32, i32
  }
}

</mosaic_0001>

<sc_bundles>
// kernel: kernel.4.cloned.1.call-start
scs
__scs_entry_jumppad:
0x0: {  	(pc) =	sbr.rel $0x88, $3  }
0x1: {  	(tag) =	ssettag $0x0;
	lr =	simm.s32 $0x1  }
0x2: {  	[smem:$0x3F99] =	sst lr;
	_ =	strace $0xD0000000  }
0x3: {  	_ = 	snop  }
0x4: {  	_ = 	snop  }
0x5: {  	_ = 	snop  }
0x6: {  	_ = 	snop  }
0x7: {  	_ = 	snop  }
__scs_overlays_trampoline_lowered:
0x8: {  	[smem:$0x3FA8] =	sst s0  }
0x9: {  	[smem:$0x3FA9] =	sst s1  }
0xa: {  	[smem:$0x3FAA] =	sst s2  }
0xb: {  	[smem:$0x3FAB] =	sst s3  }
0xc: {  	[smem:$0x3FAC] =	sst s4  }
0xd: {  	[smem:$0x3FAD] =	sst s5  }
0xe: {  	[smem:$0x3FAE] =	sst s6  }
0xf: {  	[smem:$0x3FAF] =	sst s7  }
0x10: {  	[smem:$0x3FB0] =	sst s8  }
0x11: {  	[smem:$0x3FB1] =	sst s9;
	s0 =	simm.s32 @!p0 $0x0  }
0x12: {  	s1 =	sld [smem:$0x3F97];
	s0 =	simm.s32 @p0 $0x1  }
0x13: {  	[smem:$0x3FB2] =	sst s0;
	s0 =	simm.s32 @!p1 $0x0  }
0x14: {  	s2 =	sld [smem:$0x3F96];
	s0 =	simm.s32 @p1 $0x1  }
0x15: {  	[smem:$0x3FB3] =	sst s0;
	s0 =	simm.s32 @!p2 $0x0  }
0x16: {  	s3 =	sld [smem:$0x3FDB];
	s0 =	simm.s32 @p2 $0x1  }
0x17: {  	s4 =	simm.s32 $0x1BF5;
	[smem:$0x3FB5] =	sst s0  }
0x18: {  	s0 =	sld [smem:$0x3F98];
	_ =	swait.ge [sflag:s4], $0x0  }
0x19: {  	s7 =	sld [smem:$0x3F99]  }
0x1a: {  	s8 =	sadd.s32 $0xFFFFE003, lr  }
0x1b: {  	s9 =	sadd.s32 $0xFFFFFEF7, lr;
	s5 =	simm.s32 $0xFFFFFFFF;
	p2 =	slt.u32 s8, $0xFFFFF086  }
0x1c: {  	p1 =	slt.u32 s9, $0xF7A;
	s5 =	simm.s32 @!p2 $0x0  }
0x1d: {  	s5 =	simm.s32 @p1 $0x1;
	p0 =	seq.s32 s7, s2  }
0x1e: {  	s7 =	smul.u32 @!p0 $0xF7A, s2;
	p2 =	seq.s32 @!p0 s5, $0x0  }
0x1f: {  	s9 =	smul.u32 $0xF7A, s1;
	s8 =	simm.s32 @!p0 $0x1BF5;
	p2 =	por !p2, p0  }
0x20: {  	[sflag:s8] =	ssyncset.s32 @!p0 $0xFFFFF086;
	s6 =	sadd.s32 @!p0 s3, s7;
	s7 =	simm.s32 @!p0 $0x108  }
0x21: {  	s3 =	sadd.s32 s3, s9;
	s6 =	sadd.s32 @!p0 $0x88, s6;
	s7 =	simm.s32 @p2 $0x1082  }
0x22: {  	[simem:s7], [sflag:s8] =	dma.local @!p0 [hbm:s6], $0xF7A  }
0x23: {  	s9 =	sor.u32 $0xD0000000, s2;
	s6 =	simm.s32 $0x108;
	_ =	swait.ge @!p0 [sflag:s8], $0x0  }
0x24: {  	s3 =	sadd.s32 $0x88, s3;
	s6 =	simm.s32 @!p1 $0x1082;
	[sflag:s4] =	ssyncset.s32 $0xFFFFF086  }
0x25: {  	[simem:s6], [sflag:s4] =	dma.local [hbm:s3], $0xF7A  }
0x26: {  	[smem:$0x3F99] =	sst s1;
	(tag) =	ssettag s2;
	_ =	strace s9  }
0x27: {  	s1 =	sld [smem:$0x3FA9]  }
0x28: {  	s2 =	sld [smem:$0x3FAA]  }
0x29: {  	s4 =	sld [smem:$0x3FAC]  }
0x2a: {  	p0 =	seq.s32 s5, $0x0;
	s5 =	sld [smem:$0x3FAD]  }
0x2b: {  	s6 =	sld [smem:$0x3FAE]  }
0x2c: {  	s7 =	sld [smem:$0x3FAF]  }
0x2d: {  	s3 =	simm.s32 $0x108;
	s8 =	sld [smem:$0x3FB0]  }
0x2e: {  	s3 =	simm.s32 @!p0 $0x1082;
	s9 =	sld [smem:$0x3FB1]  }
0x2f: {  	lr =	sadd.s32 s0, s3;
	s0 =	sld [smem:$0x3FA8]  }
0x30: {  	s3 =	sld [smem:$0x3FAB]  }
0x31: {  	[smem:$0x3FB4] =	sst s10  }
0x32: {  	s10 =	sld [smem:$0x3FB2];
	_ =	sdelay $0x3  }
0x33: {  	p0 =	seq.s32 s10, $0x1;
	s10 =	sld [smem:$0x3FB4];
	_ =	sdelay $0x3  }
0x34: {  	[smem:$0x3FB4] =	sst s10  }
0x35: {  	s10 =	sld [smem:$0x3FB3];
	_ =	sdelay $0x3  }
0x36: {  	p1 =	seq.s32 s10, $0x1;
	s10 =	sld [smem:$0x3FB4];
	_ =	sdelay $0x3  }
0x37: {  	[smem:$0x3FB4] =	sst s10  }
0x38: {  	s10 =	sld [smem:$0x3FB5]  }
0x39: {  	_ = 	snop;
	(pc) =	sbr.ind lr, $3  }
0x3a: {  	_ = 	snop  }
0x3b: {  	_ = 	snop  }
0x3c: {  	p2 =	seq.s32 s10, $0x1;
	s10 =	sld [smem:$0x3FB4]  }
0x3d: {  	_ =	shalt  }
0x3e: {  	_ =	shalt  }
0x3f: {  	_ =	shalt  }
0x40: {  	_ =	shalt  }
0x41: {  	_ =	shalt  }
0x42: {  	_ =	shalt  }
0x43: {  	_ =	shalt  }
0x44: {  	_ =	shalt  }
0x45: {  	_ =	shalt  }
0x46: {  	_ =	shalt  }
0x47: {  	_ =	shalt  }
0x48: {  	_ =	shalt  }
0x49: {  	_ =	shalt  }
0x4a: {  	_ =	shalt  }
0x4b: {  	_ =	shalt  }
0x4c: {  	_ =	shalt  }
0x4d: {  	_ =	shalt  }
0x4e: {  	_ =	shalt  }
0x4f: {  	_ =	shalt  }
0x50: {  	_ =	shalt  }
0x51: {  	_ =	shalt  }
0x52: {  	_ =	shalt  }
0x53: {  	_ =	shalt  }
0x54: {  	_ =	shalt  }
0x55: {  	_ =	shalt  }
0x56: {  	_ =	shalt  }
0x57: {  	_ =	shalt  }
0x58: {  	_ =	shalt  }
0x59: {  	_ =	shalt  }
0x5a: {  	_ =	shalt  }
0x5b: {  	_ =	shalt  }
0x5c: {  	_ =	shalt  }
0x5d: {  	_ =	shalt  }
0x5e: {  	_ =	shalt  }
0x5f: {  	_ =	shalt  }
0x60: {  	_ =	shalt  }
0x61: {  	_ =	shalt  }
0x62: {  	_ =	shalt  }
0x63: {  	_ =	shalt  }
0x64: {  	_ =	shalt  }
0x65: {  	_ =	shalt  }
0x66: {  	_ =	shalt  }
0x67: {  	_ =	shalt  }
0x68: {  	_ =	shalt  }
0x69: {  	_ =	shalt  }
0x6a: {  	_ =	shalt  }
0x6b: {  	_ =	shalt  }
0x6c: {  	_ =	shalt  }
0x6d: {  	_ =	shalt  }
0x6e: {  	_ =	shalt  }
0x6f: {  	_ =	shalt  }
0x70: {  	_ =	shalt  }
0x71: {  	_ =	shalt  }
0x72: {  	_ =	shalt  }
0x73: {  	_ =	shalt  }
0x74: {  	_ =	shalt  }
0x75: {  	_ =	shalt  }
0x76: {  	_ =	shalt  }
0x77: {  	_ =	shalt  }
0x78: {  	_ =	shalt  }
0x79: {  	_ =	shalt  }
0x7a: {  	_ =	shalt  }
0x7b: {  	_ =	shalt  }
0x7c: {  	_ =	shalt  }
0x7d: {  	_ =	shalt  }
0x7e: {  	_ =	shalt  }
0x7f: {  	_ =	shalt  }
0x80: {  	_ =	shalt  }
0x81: {  	_ =	shalt  }
0x82: {  	_ =	shalt  }
0x83: {  	_ =	shalt  }
0x84: {  	_ =	shalt  }
0x85: {  	_ =	shalt  }
0x86: {  	_ =	shalt  }
0x87: {  	_ =	shalt  }
.Lfunc_end0:
.L_simem_size_0:
called_computation_lowered:
.L_overlay_start_0:
0x88: {  	s2 =	sld [smem:$0x3FD9]  }
0x89: {  	s3 =	sld [smem:$0x3FFE];
	_ =	sdelay $0x1  }
0x8a: {  	s1 =	srdreg.scid  }
0x8b: {  	s0 =	sand.u32 $0x1, s1  }
0x8c: {  	s17 =	sshll.u32 s0, $0xA;
	s2 =	sadd.s32 s3, s2  }
0x8d: {  	s2 =	sadd.s32 s2, s17  }
0x8e: {  	[smem:$0x3FC0] =	sst s2  }
0x8f: {  	_ = 	snop  }
0x90: {  	s2 =	sld [smem:$0x3FC9]  }
0x91: {  	s18 =	sld [smem:$0x3FC8];
	(tm) =	ssettm $0x1  }
0x92: {  	s4 =	sld [smem:$0x3FFB];
	_ =	sdelay $0x3  }
0x93: {  	_ =	strace s4  }
0x94: {  	s4 =	sld [smem:$0x3FFC];
	_ =	sdelay $0x3  }
0x95: {  	_ =	strace s4  }
0x96: {  	s4 =	sld [smem:$0x3FFD];
	_ =	sdelay $0x3  }
0x97: {  	_ =	strace s4  }
0x98: {  	_ =	strace $0x8FFFFFFF  }
0x99: {  	s19 =	sld [smem:$0x3FDB];
	_ =	sdelay $0x1  }
0x9a: {  	s5 =	simm.s32 $_scs_section_size  }
0x9b: {  	s6 =	simm.s32 $_size__tile_overlayer_lowered;
	s7 =	simm.s32 $_tile_overlayer_lowered  }
0x9c: {  	s22 =	simm.s32 $0x1BFF;
	s21 =	sshll.u32 s7, $0x1;
	s4 =	sadd.s32 s5, s19  }
0x9d: {  	s8 =	simm.s32 $0x0;
	s20 =	sshll.u32 s6, $0x1;
	s6 =	sadd.s32 s21, s4  }
0x9e: {  	[timem:s8], [sflag:s22] =	dma.local [hbm:s6], s20  }
0x9f: {  	_ =	swait.ge [sflag:s22], s20  }
0xa0: {  	s5 =	ssub.s32 $0x0, s20;
	[sflag:s22] =	ssyncset.done $0x0  }
0xa1: {  	[sflag:s22] =	ssyncadd.s32 s5;
	_ =	sdelay $0x1  }
0xa2: {  	s23 =	simm.s32 $0x1B8B  }
0xa3: {  	_ =	swait.ge [sflag:s23], $0x1  }
0xa4: {  	[sflag:s23] =	ssyncset.done $0x0  }
0xa5: {  	s25 =	simm.s32 $0x1B8E;
	s24 =	sld [smem:$0x3FFE];
	[sflag:s23] =	ssyncadd.s32 $0xFFFFFFFF  }
0xa6: {  	s26 =	simm.s32 $execute0_lowered;
	[smem:$0x3FD2] =	sst s25  }
0xa7: {  	s6 =	sshll.u32 s26, $0x1;
	_ =	strace $0x80000046;
	[dreg:$0x1] =	wrdreg $0xFFFFFFFF  }
0xa8: {  	s28 =	simm.s32 $_size_execute0_lowered;
	s4 =	sadd.s32 s4, s6;
	[dreg:$0x0] =	wrdreg $0x0  }
0xa9: {  	s6 =	sshll.u32 s28, $0x1;
	[dreg:$0x2] =	wrdreg s4  }
0xaa: {  	[dreg:$0x3] =	wrdreg s6  }
0xab: {  	[dreg:$0x4] =	wrdreg $0xC0  }
0xac: {  	_ =	task [dreg:s8], $0x5FFFF  }
0xad: {  	[dreg:$0x1] =	wrdreg $0xFFFFFFFF  }
0xae: {  	[dreg:$0x0] =	wrdreg $0x60  }
0xaf: {  	[dreg:$0x2] =	wrdreg s2  }
0xb0: {  	[dreg:$0x3] =	wrdreg s18  }
0xb1: {  	[dreg:$0x4] =	wrdreg s24  }
0xb2: {  	[dreg:$0x5] =	wrdreg $0x9  }
0xb3: {  	_ =	task.clear_ibuf [dreg:s8], $0x6FFFF;
	_ =	strace $0x90000046  }
0xb4: {  	s29 =	simm.s32 $0x9;
	_ =	strace $0x80000048  }
0xb5: {  	_ =	swait.ge [sflag:s29], $0x1  }
0xb6: {  	[sflag:s29] =	ssyncadd.s32 $0xFFFFFFFF  }
0xb7: {  	_ =	strace $0x90000048  }
0xb8: {  	_ =	sfence  }
0xb9: {  	s30 =	sld [smem:$0x0];
	_ =	sdelay $0x2  }
0xba: {  	s31 =	sshll.u32 s1, $0xD;
	s1 =	sshrl.u32 s1, $0x2  }
0xbb: {  	s3 =	sand.u32 $0x4000, s31;
	s1 =	sadd.s32 s1, s30  }
0xbc: {  	s0 =	sor.u32 s3, s0;
	s1 =	sshll.u32 s1, $0x11  }
0xbd: {  	s0 =	sor.u32 s1, s0  }
0xbe: {  	s0 =	sadd.s32 $0x8F2B, s0  }
0xbf: {  	[sflag:s0] =	ssyncadd.remote.s32 $0x1  }
0xc0: {  	_ =	sfence.sel $0xFFFF  }
0xc1: {  	[dreg:$0x0] =	wrdreg $0xFFFFFFFF;
	(pc) =	sbr.abs _section_cstart, $3  }
0xc2: {  	[dreg:$0x1] =	wrdreg $0xFFFFFFFF  }
0xc3: {  	_ =	task.clear_ibuf [dreg:s8], $0x2FFFF;
	_ =	strace $0x9FFFFFFF  }
0xc4: {  	(tm) =	ssettm $0x7FFFFFFF  }
0xc5: {  	_ =	shalt  }
tec
execute0_lowered:
.L_overlay_start_1:
0x0: {  	(tag) =	ssettag $0x1  }
0x1: {  	s1 =	rddreg [dreg:$0x0]  }
0x2: {  	s3 =	rddreg [dreg:$0x1]  }
0x3: {  	s0 =	rddreg [dreg:$0x2];
	s2 =	srdreg.scid  }
0x4: {  	s7 =	stileid.u32;
	s4 =	simm.s32 $0x0;
	s21 =	simm.s32 $0x80  }
0x5: {  	s28 =	simm.s32 $0x1A700;
	s29 =	simm.s32 $0x1B700;
	s30 =	simm.s32 $0x2  }
0x6: {  	s31 =	simm.s32 $0x0;
	s2 =	sand.u32 $0x1, s2;
	s5 =	sshll.u32 s7, $0x1  }
0x7: {  	[smem:$0x7FF] =	sst s4;
	s8 =	sshrl.u32 s7, $0x2;
	s11 =	sadd.s32 $0x2000, s1  }
0x8: {  	s12 =	sadd.s32 $0x2000, s0;
	s14 =	sadd.s32 $0x3000, s1;
	s15 =	sadd.s32 $0x3000, s0  }
0x9: {  	s26 =	sadd.s32 $0x10, s1;
	s18 =	sadd.s32 $0x4000, s0;
	s6 =	sor.u32 s2, s5  }
0xa: {  	_ =	strace $0x80000047;
	s9 =	smul.u32 $0xC3800, s8;
	s22 =	sshll.u32 s6, $0x7  }
0xb: {  	s2 =	ssub.s32 $0x2, s2;
	s8 =	sshll.u32 s8, $0x11;
	s7 =	sand.u32 $0x380, s22  }
0xc: {  	[dreg:$0x8] =	wrdreg s26;
	s26 =	simm.s32 $0x19700;
	s9 =	sor.u32 s9, s7  }
0xd: {  	s6 =	sadd.s32 $0x1000, s0;
	s8 =	sor.u32 s8, s7;
	s9 =	sshrl.u32 s9, $0x3  }
0xe: {  	s10 =	sshrl.u32 s2, $0x1;
	s8 =	sshrl.u32 s8, $0x3;
	s9 =	sadd.s32 s3, s9  }
0xf: {  	s2 =	ssub.s32 s2, s10;
	s23 =	sadd.s32 s6, s8;
	[dreg:$0x4] =	wrdreg s9  }
0x10: {  	s22 =	simm.s32 $0x400;
	s24 =	sadd.s32 s8, s12;
	[dreg:$0x5] =	wrdreg s23  }
0x11: {  	s20 =	smax.u32 s2, $0x1;
	s25 =	sadd.s32 s8, s15;
	[dreg:$0x6] =	wrdreg s24  }
0x12: {  	s19 =	sadd.s32 s8, s18;
	s9 =	sadd.s32 $0x1000, s1;
	[dreg:$0x7] =	wrdreg s25  }
0x13: {  	s23 =	simm.s32 $0x18700;
	s24 =	simm.s32 $0x3;
	s25 =	simm.s32 $0x1  }
.LBB2_1:
0x14: {  	[tilespmem:s23], [sflag:$0x1] =	stream.strided.gather [hbm4b:s1+s21], $0x1000, s22, s21, $0x38;
	[tilespmem:$0x1C700] =	vst v63  }
0x15: {  	s0 =	rddreg [dreg:$0x4]  }
0x16: {  	[tilespmem:s4], [sflag:$0x3] =	stream.strided.gather [hbm4b:s0+s21], $0x18700, s22, s21, $0x38;
	[tilespmem:$0x1C700] =	vst v63  }
0x17: {  	_ =	swait.ge [sflag:s24], $0x18700  }
0x18: {  	[sflag:s24] =	ssyncset.done $0x0  }
0x19: {  	[sflag:s24] =	ssyncadd.s32 $0xFFFE7900  }
0x1a: {  	_ =	swait.ge [sflag:s25], $0x1000  }
0x1b: {  	[sflag:s25] =	ssyncset.done $0x0  }
0x1c: {  	s17 =	simm.s32 $0x18740;
	[sflag:s25] =	ssyncadd.s32 $0xFFFFF000  }
0x1d: {  	[tilespmem:s26], [sflag:$0x1] =	stream.strided.gather [hbm4b:s9+s21], $0x1000, s22, s21, $0x38;
	[tilespmem:$0x1C700] =	vst v63  }
0x1e: {  	v0 =	vld [tilespmem:s17+$0x30]  }
0x1f: {  	v1 =	vld [tilespmem:s17+$0xFFFFFFD0]  }
0x20: {  	v2 =	vld [tilespmem:s17+$0xFFFFFFE0]  }
0x21: {  	v3 =	vld [tilespmem:s17+$0xFFFFFFF0]  }
0x22: {  	v4 =	vld [tilespmem:s17+$0x0]  }
0x23: {  	v6 =	vld [tilespmem:s17+$0x10]  }
0x24: {  	v7 =	vld [tilespmem:s17+$0x20]  }
0x25: {  	v8 =	vld [tilespmem:s17+$0xFFFFFFC0]  }
0x26: {  	v9 =	vld.idx.msk [tilespmem:v0+s4+$0x0], $0xffff  }
0x27: {  	v10 =	vld.idx.msk [tilespmem:v1+s4+$0x0], $0xffff  }
0x28: {  	v5 =	vld.idx.msk [tilespmem:v2+s4+$0x0], $0xffff  }
0x29: {  	v3 =	vld.idx.msk [tilespmem:v3+s4+$0x0], $0xffff  }
0x2a: {  	v0 =	vld.idx.msk [tilespmem:v4+s4+$0x0], $0xffff  }
0x2b: {  	s0 =	simm.s32 $0x1A740;
	v1 =	vld.idx.msk [tilespmem:v6+s4+$0x0], $0xffff  }
0x2c: {  	v2 =	vld.idx.msk [tilespmem:v7+s4+$0x0], $0xffff;
	[tilespmem:s0+$0x30] =	vst v9  }
0x2d: {  	s2 =	simm.s32 $0x0;
	s8 =	simm.s32 $0x187C0;
	v4 =	vld.idx.msk [tilespmem:v8+s4+$0x0], $0xffff;
	[tilespmem:s0+$0xFFFFFFD0] =	vst v10  }
.LBB2_2:
0x2e: {  	v6 =	vld [tilespmem:s8+$0x30];
	s2 =	sadd.s32 $0x8, s2;
	[tilespmem:s0+$0xFFFFFFE0] =	vst v5  }
0x2f: {  	v5 =	vld [tilespmem:s8+$0xFFFFFFD0];
	p0 =	slt.u32 s2, $0xF8;
	[tilespmem:s0+$0xFFFFFFF0] =	vst v3  }
0x30: {  	v3 =	vld [tilespmem:s8+$0xFFFFFFE0];
	[tilespmem:s0+$0x0] =	vst v0  }
0x31: {  	v0 =	vld [tilespmem:s8+$0xFFFFFFF0];
	[tilespmem:s0+$0x10] =	vst v1  }
0x32: {  	v1 =	vld [tilespmem:s8+$0x0];
	[tilespmem:s0+$0x20] =	vst v2  }
0x33: {  	v2 =	vld [tilespmem:s8+$0x10];
	[tilespmem:s0+$0xFFFFFFC0] =	vst v4  }
0x34: {  	v4 =	vld [tilespmem:s8+$0x20]  }
0x35: {  	v7 =	vld [tilespmem:s8+$0xFFFFFFC0]  }
0x36: {  	v6 =	vld.idx.msk [tilespmem:v6+s4+$0x0], $0xffff  }
0x37: {  	v8 =	vld.idx.msk [tilespmem:v5+s4+$0x0], $0xffff  }
0x38: {  	v5 =	vld.idx.msk [tilespmem:v3+s4+$0x0], $0xffff  }
.Ltmp0:
0x39: {  	v3 =	vld.idx.msk [tilespmem:v0+s4+$0x0], $0xffff;
	(pc) =	sbr.rel @p0 .LBB2_2-.Ltmp0, $4  }
0x3a: {  	v0 =	vld.idx.msk [tilespmem:v1+s4+$0x0], $0xffff  }
0x3b: {  	s0 =	sadd.s32 $0x80, s0;
	v1 =	vld.idx.msk [tilespmem:v2+s4+$0x0], $0xffff  }
0x3c: {  	v2 =	vld.idx.msk [tilespmem:v4+s4+$0x0], $0xffff;
	[tilespmem:s0+$0x30] =	vst v6  }
0x3d: {  	s8 =	sadd.s32 $0x80, s8;
	v4 =	vld.idx.msk [tilespmem:v7+s4+$0x0], $0xffff;
	[tilespmem:s0+$0xFFFFFFD0] =	vst v8  }
0x3e: {  	[tilespmem:s0+$0xFFFFFFE0] =	vst v5  }
0x3f: {  	[tilespmem:s0+$0xFFFFFFF0] =	vst v3  }
0x40: {  	[tilespmem:s0+$0x0] =	vst v0  }
0x41: {  	[tilespmem:s0+$0x10] =	vst v1  }
0x42: {  	[tilespmem:s0+$0x20] =	vst v2  }
0x43: {  	[tilespmem:s0+$0xFFFFFFC0] =	vst v4  }
0x44: {  	s0 =	rddreg [dreg:$0x5]  }
0x45: {  	[hbm4b:s0+s21] =	stream.strided.scatter [tilespmem:s28], [sflag:$0x2], $0x1000, s22, s21, $0x38;
	[tilespmem:$0x1C700] =	vst v63  }
0x46: {  	_ =	swait.ge [sflag:s25], $0x1000  }
0x47: {  	[sflag:s25] =	ssyncset.done $0x0  }
0x48: {  	s17 =	simm.s32 $0x19740;
	[sflag:s25] =	ssyncadd.s32 $0xFFFFF000  }
0x49: {  	[tilespmem:s23], [sflag:$0x1] =	stream.strided.gather [hbm4b:s11+s21], $0x1000, s22, s21, $0x38;
	[tilespmem:$0x1C700] =	vst v63  }
0x4a: {  	v0 =	vld [tilespmem:s17+$0x30]  }
0x4b: {  	v1 =	vld [tilespmem:s17+$0xFFFFFFD0]  }
0x4c: {  	v2 =	vld [tilespmem:s17+$0xFFFFFFE0]  }
0x4d: {  	v3 =	vld [tilespmem:s17+$0xFFFFFFF0]  }
0x4e: {  	v4 =	vld [tilespmem:s17+$0x0]  }
0x4f: {  	v6 =	vld [tilespmem:s17+$0x10]  }
0x50: {  	v7 =	vld [tilespmem:s17+$0x20]  }
0x51: {  	v8 =	vld [tilespmem:s17+$0xFFFFFFC0]  }
0x52: {  	v9 =	vld.idx.msk [tilespmem:v0+s4+$0x0], $0xffff  }
0x53: {  	v10 =	vld.idx.msk [tilespmem:v1+s4+$0x0], $0xffff  }
0x54: {  	v5 =	vld.idx.msk [tilespmem:v2+s4+$0x0], $0xffff  }
0x55: {  	v3 =	vld.idx.msk [tilespmem:v3+s4+$0x0], $0xffff  }
0x56: {  	v0 =	vld.idx.msk [tilespmem:v4+s4+$0x0], $0xffff  }
0x57: {  	s0 =	simm.s32 $0x1B740;
	v1 =	vld.idx.msk [tilespmem:v6+s4+$0x0], $0xffff  }
0x58: {  	v2 =	vld.idx.msk [tilespmem:v7+s4+$0x0], $0xffff;
	[tilespmem:s0+$0x30] =	vst v9  }
0x59: {  	s2 =	simm.s32 $0x0;
	s8 =	simm.s32 $0x197C0;
	v4 =	vld.idx.msk [tilespmem:v8+s4+$0x0], $0xffff;
	[tilespmem:s0+$0xFFFFFFD0] =	vst v10  }
.LBB2_4:
0x5a: {  	v6 =	vld [tilespmem:s8+$0x30];
	s2 =	sadd.s32 $0x8, s2;
	[tilespmem:s0+$0xFFFFFFE0] =	vst v5  }
0x5b: {  	v5 =	vld [tilespmem:s8+$0xFFFFFFD0];
	p0 =	slt.u32 s2, $0xF8;
	[tilespmem:s0+$0xFFFFFFF0] =	vst v3  }
0x5c: {  	v3 =	vld [tilespmem:s8+$0xFFFFFFE0];
	[tilespmem:s0+$0x0] =	vst v0  }
0x5d: {  	v0 =	vld [tilespmem:s8+$0xFFFFFFF0];
	[tilespmem:s0+$0x10] =	vst v1  }
0x5e: {  	v1 =	vld [tilespmem:s8+$0x0];
	[tilespmem:s0+$0x20] =	vst v2  }
0x5f: {  	v2 =	vld [tilespmem:s8+$0x10];
	[tilespmem:s0+$0xFFFFFFC0] =	vst v4  }
0x60: {  	v4 =	vld [tilespmem:s8+$0x20]  }
0x61: {  	v7 =	vld [tilespmem:s8+$0xFFFFFFC0]  }
0x62: {  	v6 =	vld.idx.msk [tilespmem:v6+s4+$0x0], $0xffff  }
0x63: {  	v8 =	vld.idx.msk [tilespmem:v5+s4+$0x0], $0xffff  }
0x64: {  	v5 =	vld.idx.msk [tilespmem:v3+s4+$0x0], $0xffff  }
.Ltmp1:
0x65: {  	v3 =	vld.idx.msk [tilespmem:v0+s4+$0x0], $0xffff;
	(pc) =	sbr.rel @p0 .LBB2_4-.Ltmp1, $4  }
0x66: {  	v0 =	vld.idx.msk [tilespmem:v1+s4+$0x0], $0xffff  }
0x67: {  	s0 =	sadd.s32 $0x80, s0;
	v1 =	vld.idx.msk [tilespmem:v2+s4+$0x0], $0xffff  }
0x68: {  	v2 =	vld.idx.msk [tilespmem:v4+s4+$0x0], $0xffff;
	[tilespmem:s0+$0x30] =	vst v6  }
0x69: {  	s8 =	sadd.s32 $0x80, s8;
	v4 =	vld.idx.msk [tilespmem:v7+s4+$0x0], $0xffff;
	[tilespmem:s0+$0xFFFFFFD0] =	vst v8  }
0x6a: {  	[tilespmem:s0+$0xFFFFFFE0] =	vst v5  }
0x6b: {  	[tilespmem:s0+$0xFFFFFFF0] =	vst v3  }
0x6c: {  	[tilespmem:s0+$0x0] =	vst v0  }
0x6d: {  	[tilespmem:s0+$0x10] =	vst v1  }
0x6e: {  	[tilespmem:s0+$0x20] =	vst v2  }
0x6f: {  	[tilespmem:s0+$0xFFFFFFC0] =	vst v4  }
0x70: {  	s0 =	rddreg [dreg:$0x6]  }
0x71: {  	[hbm4b:s0+s21] =	stream.strided.scatter [tilespmem:s29], [sflag:$0x2], $0x1000, s22, s21, $0x38;
	[tilespmem:$0x1C700] =	vst v63  }
0x72: {  	_ =	swait.ge [sflag:s25], $0x1000  }
0x73: {  	[sflag:s25] =	ssyncset.done $0x0  }
0x74: {  	[sflag:s25] =	ssyncadd.s32 $0xFFFFF000  }
0x75: {  	[tilespmem:s26], [sflag:$0x1] =	stream.strided.gather [hbm4b:s14+s21], $0x1000, s22, s21, $0x38;
	[tilespmem:$0x1C700] =	vst v63  }
0x76: {  	_ =	swait.ge [sflag:s30], $0x1000  }
0x77: {  	[sflag:s30] =	ssyncset.done $0x0  }
0x78: {  	s17 =	simm.s32 $0x18740;
	[sflag:s30] =	ssyncadd.s32 $0xFFFFF000  }
0x79: {  	v0 =	vld [tilespmem:s17+$0x30]  }
0x7a: {  	v1 =	vld [tilespmem:s17+$0xFFFFFFD0]  }
0x7b: {  	v2 =	vld [tilespmem:s17+$0xFFFFFFE0]  }
0x7c: {  	v3 =	vld [tilespmem:s17+$0xFFFFFFF0]  }
0x7d: {  	v4 =	vld [tilespmem:s17+$0x0]  }
0x7e: {  	v6 =	vld [tilespmem:s17+$0x10]  }
0x7f: {  	v7 =	vld [tilespmem:s17+$0x20]  }
0x80: {  	v8 =	vld [tilespmem:s17+$0xFFFFFFC0]  }
0x81: {  	v9 =	vld.idx.msk [tilespmem:v0+s4+$0x0], $0xffff  }
0x82: {  	v10 =	vld.idx.msk [tilespmem:v1+s4+$0x0], $0xffff  }
0x83: {  	v5 =	vld.idx.msk [tilespmem:v2+s4+$0x0], $0xffff  }
0x84: {  	v3 =	vld.idx.msk [tilespmem:v3+s4+$0x0], $0xffff  }
0x85: {  	v0 =	vld.idx.msk [tilespmem:v4+s4+$0x0], $0xffff  }
0x86: {  	s0 =	simm.s32 $0x1A740;
	v1 =	vld.idx.msk [tilespmem:v6+s4+$0x0], $0xffff  }
0x87: {  	v2 =	vld.idx.msk [tilespmem:v7+s4+$0x0], $0xffff;
	[tilespmem:s0+$0x30] =	vst v9  }
0x88: {  	s2 =	simm.s32 $0x0;
	s8 =	simm.s32 $0x187C0;
	v4 =	vld.idx.msk [tilespmem:v8+s4+$0x0], $0xffff;
	[tilespmem:s0+$0xFFFFFFD0] =	vst v10  }
.LBB2_6:
0x89: {  	v6 =	vld [tilespmem:s8+$0x30];
	s2 =	sadd.s32 $0x8, s2;
	[tilespmem:s0+$0xFFFFFFE0] =	vst v5  }
0x8a: {  	v5 =	vld [tilespmem:s8+$0xFFFFFFD0];
	p0 =	slt.u32 s2, $0xF8;
	[tilespmem:s0+$0xFFFFFFF0] =	vst v3  }
0x8b: {  	v3 =	vld [tilespmem:s8+$0xFFFFFFE0];
	[tilespmem:s0+$0x0] =	vst v0  }
0x8c: {  	v0 =	vld [tilespmem:s8+$0xFFFFFFF0];
	[tilespmem:s0+$0x10] =	vst v1  }
0x8d: {  	v1 =	vld [tilespmem:s8+$0x0];
	[tilespmem:s0+$0x20] =	vst v2  }
0x8e: {  	v2 =	vld [tilespmem:s8+$0x10];
	[tilespmem:s0+$0xFFFFFFC0] =	vst v4  }
0x8f: {  	v4 =	vld [tilespmem:s8+$0x20]  }
0x90: {  	v7 =	vld [tilespmem:s8+$0xFFFFFFC0]  }
0x91: {  	v6 =	vld.idx.msk [tilespmem:v6+s4+$0x0], $0xffff  }
0x92: {  	v8 =	vld.idx.msk [tilespmem:v5+s4+$0x0], $0xffff  }
0x93: {  	v5 =	vld.idx.msk [tilespmem:v3+s4+$0x0], $0xffff  }
.Ltmp2:
0x94: {  	v3 =	vld.idx.msk [tilespmem:v0+s4+$0x0], $0xffff;
	(pc) =	sbr.rel @p0 .LBB2_6-.Ltmp2, $4  }
0x95: {  	v0 =	vld.idx.msk [tilespmem:v1+s4+$0x0], $0xffff  }
0x96: {  	s0 =	sadd.s32 $0x80, s0;
	v1 =	vld.idx.msk [tilespmem:v2+s4+$0x0], $0xffff  }
0x97: {  	v2 =	vld.idx.msk [tilespmem:v4+s4+$0x0], $0xffff;
	[tilespmem:s0+$0x30] =	vst v6  }
0x98: {  	s8 =	sadd.s32 $0x80, s8;
	v4 =	vld.idx.msk [tilespmem:v7+s4+$0x0], $0xffff;
	[tilespmem:s0+$0xFFFFFFD0] =	vst v8  }
0x99: {  	[tilespmem:s0+$0xFFFFFFE0] =	vst v5  }
0x9a: {  	[tilespmem:s0+$0xFFFFFFF0] =	vst v3  }
0x9b: {  	[tilespmem:s0+$0x0] =	vst v0  }
0x9c: {  	[tilespmem:s0+$0x10] =	vst v1  }
0x9d: {  	[tilespmem:s0+$0x20] =	vst v2  }
0x9e: {  	[tilespmem:s0+$0xFFFFFFC0] =	vst v4  }
0x9f: {  	s0 =	rddreg [dreg:$0x7]  }
0xa0: {  	[hbm4b:s0+s21] =	stream.strided.scatter [tilespmem:s28], [sflag:$0x2], $0x1000, s22, s21, $0x38;
	[tilespmem:$0x1C700] =	vst v63  }
0xa1: {  	_ =	swait.ge [sflag:s25], $0x1000  }
0xa2: {  	[sflag:s25] =	ssyncset.done $0x0  }
0xa3: {  	s16 =	rddreg [dreg:$0x8];
	[sflag:s25] =	ssyncadd.s32 $0xFFFFF000  }
0xa4: {  	[tilespmem:s23], [sflag:$0x1] =	stream.strided.gather [hbm4b:s16+s21], $0x1000, s22, s21, $0x38;
	[tilespmem:$0x1C700] =	vst v63  }
0xa5: {  	_ =	swait.ge [sflag:s30], $0x1000  }
0xa6: {  	[sflag:s30] =	ssyncset.done $0x0  }
0xa7: {  	s17 =	simm.s32 $0x19740;
	[sflag:s30] =	ssyncadd.s32 $0xFFFFF000  }
0xa8: {  	v0 =	vld [tilespmem:s17+$0x30]  }
0xa9: {  	v1 =	vld [tilespmem:s17+$0xFFFFFFD0]  }
0xaa: {  	v2 =	vld [tilespmem:s17+$0xFFFFFFE0]  }
0xab: {  	v3 =	vld [tilespmem:s17+$0xFFFFFFF0]  }
0xac: {  	v4 =	vld [tilespmem:s17+$0x0]  }
0xad: {  	v6 =	vld [tilespmem:s17+$0x10]  }
0xae: {  	v7 =	vld [tilespmem:s17+$0x20]  }
0xaf: {  	v8 =	vld [tilespmem:s17+$0xFFFFFFC0]  }
0xb0: {  	v9 =	vld.idx.msk [tilespmem:v0+s4+$0x0], $0xffff  }
0xb1: {  	v10 =	vld.idx.msk [tilespmem:v1+s4+$0x0], $0xffff  }
0xb2: {  	v5 =	vld.idx.msk [tilespmem:v2+s4+$0x0], $0xffff  }
0xb3: {  	v3 =	vld.idx.msk [tilespmem:v3+s4+$0x0], $0xffff  }
0xb4: {  	v0 =	vld.idx.msk [tilespmem:v4+s4+$0x0], $0xffff  }
0xb5: {  	s0 =	simm.s32 $0x1B740;
	v1 =	vld.idx.msk [tilespmem:v6+s4+$0x0], $0xffff  }
0xb6: {  	v2 =	vld.idx.msk [tilespmem:v7+s4+$0x0], $0xffff;
	[tilespmem:s0+$0x30] =	vst v9  }
0xb7: {  	s2 =	simm.s32 $0x0;
	s8 =	simm.s32 $0x197C0;
	v4 =	vld.idx.msk [tilespmem:v8+s4+$0x0], $0xffff;
	[tilespmem:s0+$0xFFFFFFD0] =	vst v10  }
.LBB2_8:
0xb8: {  	v6 =	vld [tilespmem:s8+$0x30];
	s2 =	sadd.s32 $0x8, s2;
	[tilespmem:s0+$0xFFFFFFE0] =	vst v5  }
0xb9: {  	v5 =	vld [tilespmem:s8+$0xFFFFFFD0];
	p0 =	slt.u32 s2, $0xF8;
	[tilespmem:s0+$0xFFFFFFF0] =	vst v3  }
0xba: {  	v3 =	vld [tilespmem:s8+$0xFFFFFFE0];
	[tilespmem:s0+$0x0] =	vst v0  }
0xbb: {  	v0 =	vld [tilespmem:s8+$0xFFFFFFF0];
	[tilespmem:s0+$0x10] =	vst v1  }
0xbc: {  	v1 =	vld [tilespmem:s8+$0x0];
	[tilespmem:s0+$0x20] =	vst v2  }
0xbd: {  	v2 =	vld [tilespmem:s8+$0x10];
	[tilespmem:s0+$0xFFFFFFC0] =	vst v4  }
0xbe: {  	v4 =	vld [tilespmem:s8+$0x20]  }
0xbf: {  	v7 =	vld [tilespmem:s8+$0xFFFFFFC0]  }
0xc0: {  	v6 =	vld.idx.msk [tilespmem:v6+s4+$0x0], $0xffff  }
0xc1: {  	v8 =	vld.idx.msk [tilespmem:v5+s4+$0x0], $0xffff  }
0xc2: {  	v5 =	vld.idx.msk [tilespmem:v3+s4+$0x0], $0xffff  }
.Ltmp3:
0xc3: {  	v3 =	vld.idx.msk [tilespmem:v0+s4+$0x0], $0xffff;
	(pc) =	sbr.rel @p0 .LBB2_8-.Ltmp3, $4  }
0xc4: {  	v0 =	vld.idx.msk [tilespmem:v1+s4+$0x0], $0xffff  }
0xc5: {  	s0 =	sadd.s32 $0x80, s0;
	v1 =	vld.idx.msk [tilespmem:v2+s4+$0x0], $0xffff  }
0xc6: {  	v2 =	vld.idx.msk [tilespmem:v4+s4+$0x0], $0xffff;
	[tilespmem:s0+$0x30] =	vst v6  }
0xc7: {  	s8 =	sadd.s32 $0x80, s8;
	v4 =	vld.idx.msk [tilespmem:v7+s4+$0x0], $0xffff;
	[tilespmem:s0+$0xFFFFFFD0] =	vst v8  }
0xc8: {  	[tilespmem:s0+$0xFFFFFFE0] =	vst v5  }
0xc9: {  	[tilespmem:s0+$0xFFFFFFF0] =	vst v3  }
0xca: {  	[tilespmem:s0+$0x0] =	vst v0  }
0xcb: {  	[tilespmem:s0+$0x10] =	vst v1  }
0xcc: {  	[tilespmem:s0+$0x20] =	vst v2  }
0xcd: {  	[tilespmem:s0+$0xFFFFFFC0] =	vst v4;
	s0 =	simm.s32 $0x1  }
0xce: {  	[hbm4b:s19+s21] =	stream.strided.scatter [tilespmem:s29], [sflag:$0x2], $0x1000, s22, s21, $0x38;
	[tilespmem:$0x1C700] =	vst v63  }
.LBB2_10:
0xcf: {  	s2 =	sshll.u32 s0, $0x5  }
0xd0: {  	s2 =	sor.u32 s5, s2  }
0xd1: {  	s2 =	sshrl.u32 s2, $0x3  }
0xd2: {  	s8 =	smul.u32 $0xC3800, s2;
	_ =	sdelay $0x1  }
0xd3: {  	s8 =	sor.u32 s7, s8  }
0xd4: {  	s8 =	sshrl.u32 s8, $0x3  }
0xd5: {  	s8 =	sadd.s32 s3, s8  }
0xd6: {  	[tilespmem:s4], [sflag:$0x3] =	stream.strided.gather [hbm4b:s8+s21], $0x18700, s22, s21, $0x38;
	[tilespmem:$0x1C700] =	vst v63  }
0xd7: {  	_ =	swait.ge [sflag:s24], $0x18700  }
0xd8: {  	[sflag:s24] =	ssyncset.done $0x0  }
0xd9: {  	s16 =	sshll.u32 s0, $0xB;
	s10 =	sshll.u32 s0, $0x4;
	[sflag:s24] =	ssyncadd.s32 $0xFFFE7900  }
0xda: {  	s10 =	sand.u32 $0x70, s10;
	s8 =	sand.u32 $0xC000, s16;
	_ =	swait.ge [sflag:s25], $0x1000  }
0xdb: {  	s8 =	sor.u32 s10, s8;
	[sflag:s25] =	ssyncset.done $0x0  }
0xdc: {  	s10 =	sadd.s32 s8, s9;
	[sflag:s25] =	ssyncadd.s32 $0xFFFFF000  }
0xdd: {  	[tilespmem:s26], [sflag:$0x1] =	stream.strided.gather [hbm4b:s10+s21], $0x1000, s22, s21, $0x38;
	[tilespmem:$0x1C700] =	vst v63  }
0xde: {  	_ =	swait.ge [sflag:s30], $0x1000  }
0xdf: {  	[sflag:s30] =	ssyncset.done $0x0  }
0xe0: {  	s17 =	simm.s32 $0x18740;
	[sflag:s30] =	ssyncadd.s32 $0xFFFFF000  }
0xe1: {  	v0 =	vld [tilespmem:s17+$0x30]  }
0xe2: {  	v1 =	vld [tilespmem:s17+$0xFFFFFFD0]  }
0xe3: {  	v2 =	vld [tilespmem:s17+$0xFFFFFFE0]  }
0xe4: {  	v4 =	vld [tilespmem:s17+$0xFFFFFFF0]  }
0xe5: {  	v5 =	vld [tilespmem:s17+$0x0]  }
0xe6: {  	v6 =	vld [tilespmem:s17+$0x10]  }
0xe7: {  	v7 =	vld [tilespmem:s17+$0x20]  }
0xe8: {  	v8 =	vld [tilespmem:s17+$0xFFFFFFC0]  }
0xe9: {  	v9 =	vld.idx.msk [tilespmem:v0+s4+$0x0], $0xffff  }
0xea: {  	v10 =	vld.idx.msk [tilespmem:v1+s4+$0x0], $0xffff  }
0xeb: {  	v3 =	vld.idx.msk [tilespmem:v2+s4+$0x0], $0xffff  }
0xec: {  	v0 =	vld.idx.msk [tilespmem:v4+s4+$0x0], $0xffff  }
0xed: {  	s2 =	sshll.u32 s2, $0x11;
	v1 =	vld.idx.msk [tilespmem:v5+s4+$0x0], $0xffff  }
0xee: {  	s2 =	sor.u32 s7, s2;
	s10 =	simm.s32 $0x1A740;
	v2 =	vld.idx.msk [tilespmem:v6+s4+$0x0], $0xffff  }
0xef: {  	s2 =	sshrl.u32 s2, $0x3;
	v4 =	vld.idx.msk [tilespmem:v7+s4+$0x0], $0xffff;
	[tilespmem:s10+$0x30] =	vst v9  }
0xf0: {  	s13 =	sadd.s32 s6, s2;
	s16 =	simm.s32 $0x0;
	s17 =	simm.s32 $0x187C0;
	v5 =	vld.idx.msk [tilespmem:v8+s4+$0x0], $0xffff;
	[tilespmem:s10+$0xFFFFFFD0] =	vst v10  }
.LBB2_11:
0xf1: {  	v6 =	vld [tilespmem:s17+$0x30];
	s16 =	sadd.s32 $0x8, s16;
	[tilespmem:s10+$0xFFFFFFE0] =	vst v3  }
0xf2: {  	v3 =	vld [tilespmem:s17+$0xFFFFFFD0];
	p0 =	slt.u32 s16, $0xF8;
	[tilespmem:s10+$0xFFFFFFF0] =	vst v0  }
0xf3: {  	v0 =	vld [tilespmem:s17+$0xFFFFFFE0];
	[tilespmem:s10+$0x0] =	vst v1  }
0xf4: {  	v1 =	vld [tilespmem:s17+$0xFFFFFFF0];
	[tilespmem:s10+$0x10] =	vst v2  }
0xf5: {  	v2 =	vld [tilespmem:s17+$0x0];
	[tilespmem:s10+$0x20] =	vst v4  }
0xf6: {  	v4 =	vld [tilespmem:s17+$0x10];
	[tilespmem:s10+$0xFFFFFFC0] =	vst v5  }
0xf7: {  	v5 =	vld [tilespmem:s17+$0x20]  }
0xf8: {  	v7 =	vld [tilespmem:s17+$0xFFFFFFC0]  }
0xf9: {  	v6 =	vld.idx.msk [tilespmem:v6+s4+$0x0], $0xffff  }
0xfa: {  	v8 =	vld.idx.msk [tilespmem:v3+s4+$0x0], $0xffff  }
0xfb: {  	v3 =	vld.idx.msk [tilespmem:v0+s4+$0x0], $0xffff  }
.Ltmp4:
0xfc: {  	v0 =	vld.idx.msk [tilespmem:v1+s4+$0x0], $0xffff;
	(pc) =	sbr.rel @p0 .LBB2_11-.Ltmp4, $4  }
0xfd: {  	v1 =	vld.idx.msk [tilespmem:v2+s4+$0x0], $0xffff  }
0xfe: {  	s10 =	sadd.s32 $0x80, s10;
	v2 =	vld.idx.msk [tilespmem:v4+s4+$0x0], $0xffff  }
0xff: {  	v4 =	vld.idx.msk [tilespmem:v5+s4+$0x0], $0xffff;
	[tilespmem:s10+$0x30] =	vst v6  }
0x100: {  	s17 =	sadd.s32 $0x80, s17;
	v5 =	vld.idx.msk [tilespmem:v7+s4+$0x0], $0xffff;
	[tilespmem:s10+$0xFFFFFFD0] =	vst v8  }
0x101: {  	[tilespmem:s10+$0xFFFFFFE0] =	vst v3  }
0x102: {  	[tilespmem:s10+$0xFFFFFFF0] =	vst v0  }
0x103: {  	[tilespmem:s10+$0x0] =	vst v1  }
0x104: {  	[tilespmem:s10+$0x10] =	vst v2  }
0x105: {  	[tilespmem:s10+$0x20] =	vst v4  }
0x106: {  	[tilespmem:s10+$0xFFFFFFC0] =	vst v5  }
0x107: {  	[hbm4b:s13+s21] =	stream.strided.scatter [tilespmem:s28], [sflag:$0x2], $0x1000, s22, s21, $0x38;
	[tilespmem:$0x1C700] =	vst v63  }
0x108: {  	_ =	swait.ge [sflag:s25], $0x1000  }
0x109: {  	[sflag:s25] =	ssyncset.done $0x0  }
0x10a: {  	s16 =	sadd.s32 s8, s11;
	[sflag:s25] =	ssyncadd.s32 $0xFFFFF000  }
0x10b: {  	[tilespmem:s23], [sflag:$0x1] =	stream.strided.gather [hbm4b:s16+s21], $0x1000, s22, s21, $0x38;
	[tilespmem:$0x1C700] =	vst v63  }
0x10c: {  	_ =	swait.ge [sflag:s30], $0x1000  }
0x10d: {  	[sflag:s30] =	ssyncset.done $0x0  }
0x10e: {  	s17 =	simm.s32 $0x19740;
	[sflag:s30] =	ssyncadd.s32 $0xFFFFF000  }
0x10f: {  	v0 =	vld [tilespmem:s17+$0x30]  }
0x110: {  	v1 =	vld [tilespmem:s17+$0xFFFFFFD0]  }
0x111: {  	v2 =	vld [tilespmem:s17+$0xFFFFFFE0]  }
0x112: {  	v3 =	vld [tilespmem:s17+$0xFFFFFFF0]  }
0x113: {  	v5 =	vld [tilespmem:s17+$0x0]  }
0x114: {  	v6 =	vld [tilespmem:s17+$0x10]  }
0x115: {  	v7 =	vld [tilespmem:s17+$0x20]  }
0x116: {  	v8 =	vld [tilespmem:s17+$0xFFFFFFC0]  }
0x117: {  	v9 =	vld.idx.msk [tilespmem:v0+s4+$0x0], $0xffff  }
0x118: {  	v10 =	vld.idx.msk [tilespmem:v1+s4+$0x0], $0xffff  }
0x119: {  	v4 =	vld.idx.msk [tilespmem:v2+s4+$0x0], $0xffff  }
0x11a: {  	v3 =	vld.idx.msk [tilespmem:v3+s4+$0x0], $0xffff  }
0x11b: {  	v0 =	vld.idx.msk [tilespmem:v5+s4+$0x0], $0xffff  }
0x11c: {  	s10 =	simm.s32 $0x1B740;
	v1 =	vld.idx.msk [tilespmem:v6+s4+$0x0], $0xffff  }
0x11d: {  	v2 =	vld.idx.msk [tilespmem:v7+s4+$0x0], $0xffff;
	[tilespmem:s10+$0x30] =	vst v9  }
0x11e: {  	s13 =	sadd.s32 s2, s12;
	s16 =	simm.s32 $0x0;
	s17 =	simm.s32 $0x197C0;
	v5 =	vld.idx.msk [tilespmem:v8+s4+$0x0], $0xffff;
	[tilespmem:s10+$0xFFFFFFD0] =	vst v10  }
.LBB2_13:
0x11f: {  	v6 =	vld [tilespmem:s17+$0x30];
	s16 =	sadd.s32 $0x8, s16;
	[tilespmem:s10+$0xFFFFFFE0] =	vst v4  }
0x120: {  	v4 =	vld [tilespmem:s17+$0xFFFFFFD0];
	p0 =	slt.u32 s16, $0xF8;
	[tilespmem:s10+$0xFFFFFFF0] =	vst v3  }
0x121: {  	v3 =	vld [tilespmem:s17+$0xFFFFFFE0];
	[tilespmem:s10+$0x0] =	vst v0  }
0x122: {  	v0 =	vld [tilespmem:s17+$0xFFFFFFF0];
	[tilespmem:s10+$0x10] =	vst v1  }
0x123: {  	v1 =	vld [tilespmem:s17+$0x0];
	[tilespmem:s10+$0x20] =	vst v2  }
0x124: {  	v2 =	vld [tilespmem:s17+$0x10];
	[tilespmem:s10+$0xFFFFFFC0] =	vst v5  }
0x125: {  	v5 =	vld [tilespmem:s17+$0x20]  }
0x126: {  	v7 =	vld [tilespmem:s17+$0xFFFFFFC0]  }
0x127: {  	v6 =	vld.idx.msk [tilespmem:v6+s4+$0x0], $0xffff  }
0x128: {  	v8 =	vld.idx.msk [tilespmem:v4+s4+$0x0], $0xffff  }
0x129: {  	v4 =	vld.idx.msk [tilespmem:v3+s4+$0x0], $0xffff  }
.Ltmp5:
0x12a: {  	v3 =	vld.idx.msk [tilespmem:v0+s4+$0x0], $0xffff;
	(pc) =	sbr.rel @p0 .LBB2_13-.Ltmp5, $4  }
0x12b: {  	v0 =	vld.idx.msk [tilespmem:v1+s4+$0x0], $0xffff  }
0x12c: {  	s10 =	sadd.s32 $0x80, s10;
	v1 =	vld.idx.msk [tilespmem:v2+s4+$0x0], $0xffff  }
0x12d: {  	v2 =	vld.idx.msk [tilespmem:v5+s4+$0x0], $0xffff;
	[tilespmem:s10+$0x30] =	vst v6  }
0x12e: {  	s17 =	sadd.s32 $0x80, s17;
	v5 =	vld.idx.msk [tilespmem:v7+s4+$0x0], $0xffff;
	[tilespmem:s10+$0xFFFFFFD0] =	vst v8  }
0x12f: {  	[tilespmem:s10+$0xFFFFFFE0] =	vst v4  }
0x130: {  	[tilespmem:s10+$0xFFFFFFF0] =	vst v3  }
0x131: {  	[tilespmem:s10+$0x0] =	vst v0  }
0x132: {  	[tilespmem:s10+$0x10] =	vst v1  }
0x133: {  	[tilespmem:s10+$0x20] =	vst v2  }
0x134: {  	[tilespmem:s10+$0xFFFFFFC0] =	vst v5  }
0x135: {  	[hbm4b:s13+s21] =	stream.strided.scatter [tilespmem:s29], [sflag:$0x2], $0x1000, s22, s21, $0x38;
	[tilespmem:$0x1C700] =	vst v63  }
0x136: {  	_ =	swait.ge [sflag:s25], $0x1000  }
0x137: {  	[sflag:s25] =	ssyncset.done $0x0  }
0x138: {  	s8 =	sadd.s32 s8, s14;
	[sflag:s25] =	ssyncadd.s32 $0xFFFFF000  }
0x139: {  	[tilespmem:s26], [sflag:$0x1] =	stream.strided.gather [hbm4b:s8+s21], $0x1000, s22, s21, $0x38;
	[tilespmem:$0x1C700] =	vst v63  }
0x13a: {  	_ =	swait.ge [sflag:s30], $0x1000  }
0x13b: {  	[sflag:s30] =	ssyncset.done $0x0  }
0x13c: {  	s17 =	simm.s32 $0x18740;
	[sflag:s30] =	ssyncadd.s32 $0xFFFFF000  }
0x13d: {  	v0 =	vld [tilespmem:s17+$0x30]  }
0x13e: {  	v1 =	vld [tilespmem:s17+$0xFFFFFFD0]  }
0x13f: {  	v2 =	vld [tilespmem:s17+$0xFFFFFFE0]  }
0x140: {  	v3 =	vld [tilespmem:s17+$0xFFFFFFF0]  }
0x141: {  	v5 =	vld [tilespmem:s17+$0x0]  }
0x142: {  	v6 =	vld [tilespmem:s17+$0x10]  }
0x143: {  	v7 =	vld [tilespmem:s17+$0x20]  }
0x144: {  	v8 =	vld [tilespmem:s17+$0xFFFFFFC0]  }
0x145: {  	v9 =	vld.idx.msk [tilespmem:v0+s4+$0x0], $0xffff  }
0x146: {  	v10 =	vld.idx.msk [tilespmem:v1+s4+$0x0], $0xffff  }
0x147: {  	v4 =	vld.idx.msk [tilespmem:v2+s4+$0x0], $0xffff  }
0x148: {  	v3 =	vld.idx.msk [tilespmem:v3+s4+$0x0], $0xffff  }
0x149: {  	v0 =	vld.idx.msk [tilespmem:v5+s4+$0x0], $0xffff  }
0x14a: {  	s8 =	simm.s32 $0x1A740;
	v1 =	vld.idx.msk [tilespmem:v6+s4+$0x0], $0xffff  }
0x14b: {  	v2 =	vld.idx.msk [tilespmem:v7+s4+$0x0], $0xffff;
	[tilespmem:s8+$0x30] =	vst v9  }
0x14c: {  	s16 =	simm.s32 $0x187C0;
	s10 =	sadd.s32 s2, s15;
	s13 =	simm.s32 $0x0;
	v5 =	vld.idx.msk [tilespmem:v8+s4+$0x0], $0xffff;
	[tilespmem:s8+$0xFFFFFFD0] =	vst v10  }
.LBB2_15:
0x14d: {  	v6 =	vld [tilespmem:s16+$0x30];
	s13 =	sadd.s32 $0x8, s13;
	[tilespmem:s8+$0xFFFFFFE0] =	vst v4  }
0x14e: {  	v4 =	vld [tilespmem:s16+$0xFFFFFFD0];
	p0 =	slt.u32 s13, $0xF8;
	[tilespmem:s8+$0xFFFFFFF0] =	vst v3  }
0x14f: {  	v3 =	vld [tilespmem:s16+$0xFFFFFFE0];
	[tilespmem:s8+$0x0] =	vst v0  }
0x150: {  	v0 =	vld [tilespmem:s16+$0xFFFFFFF0];
	[tilespmem:s8+$0x10] =	vst v1  }
0x151: {  	v1 =	vld [tilespmem:s16+$0x0];
	[tilespmem:s8+$0x20] =	vst v2  }
0x152: {  	v2 =	vld [tilespmem:s16+$0x10];
	[tilespmem:s8+$0xFFFFFFC0] =	vst v5  }
0x153: {  	v5 =	vld [tilespmem:s16+$0x20]  }
0x154: {  	v7 =	vld [tilespmem:s16+$0xFFFFFFC0]  }
0x155: {  	v6 =	vld.idx.msk [tilespmem:v6+s4+$0x0], $0xffff  }
0x156: {  	v8 =	vld.idx.msk [tilespmem:v4+s4+$0x0], $0xffff  }
0x157: {  	v4 =	vld.idx.msk [tilespmem:v3+s4+$0x0], $0xffff  }
.Ltmp6:
0x158: {  	v3 =	vld.idx.msk [tilespmem:v0+s4+$0x0], $0xffff;
	(pc) =	sbr.rel @p0 .LBB2_15-.Ltmp6, $4  }
0x159: {  	v0 =	vld.idx.msk [tilespmem:v1+s4+$0x0], $0xffff  }
0x15a: {  	s8 =	sadd.s32 $0x80, s8;
	v1 =	vld.idx.msk [tilespmem:v2+s4+$0x0], $0xffff  }
0x15b: {  	v2 =	vld.idx.msk [tilespmem:v5+s4+$0x0], $0xffff;
	[tilespmem:s8+$0x30] =	vst v6  }
0x15c: {  	s16 =	sadd.s32 $0x80, s16;
	v5 =	vld.idx.msk [tilespmem:v7+s4+$0x0], $0xffff;
	[tilespmem:s8+$0xFFFFFFD0] =	vst v8  }
0x15d: {  	[tilespmem:s8+$0xFFFFFFE0] =	vst v4  }
0x15e: {  	[tilespmem:s8+$0xFFFFFFF0] =	vst v3  }
0x15f: {  	[tilespmem:s8+$0x0] =	vst v0  }
0x160: {  	[tilespmem:s8+$0x10] =	vst v1  }
0x161: {  	s0 =	sadd.s32 $0x1, s0;
	[tilespmem:s8+$0x20] =	vst v2  }
0x162: {  	p0 =	slt.s32 s0, $0x19;
	[tilespmem:s8+$0xFFFFFFC0] =	vst v5;
	s8 =	smov.u32 s0  }
0x163: {  	[hbm4b:s10+s21] =	stream.strided.scatter [tilespmem:s28], [sflag:$0x2], $0x1000, s22, s21, $0x38;
	[tilespmem:$0x1C700] =	vst v63  }
0x164: {  	s8 =	simm.s32 @!p0 $0x19  }
0x165: {  	s16 =	sshll.u32 s8, $0x4  }
0x166: {  	_ =	swait.ge [sflag:s25], $0x1000;
	s8 =	sshll.u32 s8, $0xB;
	s10 =	sand.u32 $0x70, s16  }
0x167: {  	[sflag:s25] =	ssyncset.done $0x0;
	s8 =	sand.u32 $0xC000, s8;
	s10 =	sadd.s32 s1, s10  }
0x168: {  	[sflag:s25] =	ssyncadd.s32 $0xFFFFF000;
	s8 =	sadd.s32 s8, s10  }
0x169: {  	[tilespmem:s23], [sflag:$0x1] =	stream.strided.gather [hbm4b:s8+s21], $0x1000, s22, s21, $0x38;
	[tilespmem:$0x1C700] =	vst v63  }
0x16a: {  	_ =	swait.ge [sflag:s30], $0x1000  }
0x16b: {  	[sflag:s30] =	ssyncset.done $0x0  }
0x16c: {  	s17 =	simm.s32 $0x19740;
	[sflag:s30] =	ssyncadd.s32 $0xFFFFF000  }
0x16d: {  	v0 =	vld [tilespmem:s17+$0x30]  }
0x16e: {  	v1 =	vld [tilespmem:s17+$0xFFFFFFD0]  }
0x16f: {  	v2 =	vld [tilespmem:s17+$0xFFFFFFE0]  }
0x170: {  	v3 =	vld [tilespmem:s17+$0xFFFFFFF0]  }
0x171: {  	v5 =	vld [tilespmem:s17+$0x0]  }
0x172: {  	v6 =	vld [tilespmem:s17+$0x10]  }
0x173: {  	v7 =	vld [tilespmem:s17+$0x20]  }
0x174: {  	v8 =	vld [tilespmem:s17+$0xFFFFFFC0]  }
0x175: {  	v9 =	vld.idx.msk [tilespmem:v0+s4+$0x0], $0xffff  }
0x176: {  	v10 =	vld.idx.msk [tilespmem:v1+s4+$0x0], $0xffff  }
0x177: {  	v4 =	vld.idx.msk [tilespmem:v2+s4+$0x0], $0xffff  }
0x178: {  	v3 =	vld.idx.msk [tilespmem:v3+s4+$0x0], $0xffff  }
0x179: {  	v0 =	vld.idx.msk [tilespmem:v5+s4+$0x0], $0xffff  }
0x17a: {  	s8 =	simm.s32 $0x1B740;
	v1 =	vld.idx.msk [tilespmem:v6+s4+$0x0], $0xffff  }
0x17b: {  	v2 =	vld.idx.msk [tilespmem:v7+s4+$0x0], $0xffff;
	[tilespmem:s8+$0x30] =	vst v9  }
0x17c: {  	s2 =	sadd.s32 s2, s18;
	s13 =	simm.s32 $0x197C0;
	s10 =	simm.s32 $0x0;
	v5 =	vld.idx.msk [tilespmem:v8+s4+$0x0], $0xffff;
	[tilespmem:s8+$0xFFFFFFD0] =	vst v10  }
.LBB2_17:
0x17d: {  	v6 =	vld [tilespmem:s13+$0x30];
	s10 =	sadd.s32 $0x8, s10;
	[tilespmem:s8+$0xFFFFFFE0] =	vst v4  }
0x17e: {  	v4 =	vld [tilespmem:s13+$0xFFFFFFD0];
	p0 =	slt.u32 s10, $0xF8;
	[tilespmem:s8+$0xFFFFFFF0] =	vst v3  }
0x17f: {  	v3 =	vld [tilespmem:s13+$0xFFFFFFE0];
	[tilespmem:s8+$0x0] =	vst v0  }
0x180: {  	v0 =	vld [tilespmem:s13+$0xFFFFFFF0];
	[tilespmem:s8+$0x10] =	vst v1  }
0x181: {  	v1 =	vld [tilespmem:s13+$0x0];
	[tilespmem:s8+$0x20] =	vst v2  }
0x182: {  	v2 =	vld [tilespmem:s13+$0x10];
	[tilespmem:s8+$0xFFFFFFC0] =	vst v5  }
0x183: {  	v5 =	vld [tilespmem:s13+$0x20]  }
0x184: {  	v7 =	vld [tilespmem:s13+$0xFFFFFFC0]  }
0x185: {  	v6 =	vld.idx.msk [tilespmem:v6+s4+$0x0], $0xffff  }
0x186: {  	v8 =	vld.idx.msk [tilespmem:v4+s4+$0x0], $0xffff  }
0x187: {  	v4 =	vld.idx.msk [tilespmem:v3+s4+$0x0], $0xffff  }
.Ltmp7:
0x188: {  	v3 =	vld.idx.msk [tilespmem:v0+s4+$0x0], $0xffff;
	(pc) =	sbr.rel @p0 .LBB2_17-.Ltmp7, $4  }
0x189: {  	v0 =	vld.idx.msk [tilespmem:v1+s4+$0x0], $0xffff  }
0x18a: {  	s8 =	sadd.s32 $0x80, s8;
	v1 =	vld.idx.msk [tilespmem:v2+s4+$0x0], $0xffff  }
0x18b: {  	v2 =	vld.idx.msk [tilespmem:v5+s4+$0x0], $0xffff;
	[tilespmem:s8+$0x30] =	vst v6  }
0x18c: {  	s13 =	sadd.s32 $0x80, s13;
	v5 =	vld.idx.msk [tilespmem:v7+s4+$0x0], $0xffff;
	[tilespmem:s8+$0xFFFFFFD0] =	vst v8  }
0x18d: {  	[tilespmem:s8+$0xFFFFFFE0] =	vst v4  }
0x18e: {  	[tilespmem:s8+$0xFFFFFFF0] =	vst v3;
	p0 =	sne.s32 s0, $0x1A  }
.Ltmp8:
0x18f: {  	[tilespmem:s8+$0x0] =	vst v0;
	(pc) =	sbr.rel @p0 .LBB2_10-.Ltmp8, $4  }
0x190: {  	[tilespmem:s8+$0x10] =	vst v1  }
0x191: {  	[tilespmem:s8+$0x20] =	vst v2  }
0x192: {  	[tilespmem:s8+$0xFFFFFFC0] =	vst v5  }
0x193: {  	[hbm4b:s2+s21] =	stream.strided.scatter [tilespmem:s29], [sflag:$0x2], $0x1000, s22, s21, $0x38;
	[tilespmem:$0x1C700] =	vst v63  }
0x194: {  	_ =	swait.ge [sflag:s30], $0x1000  }
0x195: {  	[sflag:s30] =	ssyncset.done $0x0  }
0x196: {  	s31 =	sadd.s32 $0x1, s31;
	[sflag:s30] =	ssyncadd.s32 $0xFFFFF000  }
0x197: {  	p0 =	sne.s32 s31, s20;
	_ =	swait.ge [sflag:s30], $0x1000  }
.Ltmp9:
0x198: {  	[sflag:s30] =	ssyncset.done $0x0;
	(pc) =	sbr.rel @p0 .LBB2_1-.Ltmp9, $4  }
0x199: {  	[sflag:s30] =	ssyncadd.s32 $0xFFFFF000  }
0x19a: {  	_ =	swait.ge [sflag:s25], $0x1000  }
0x19b: {  	[sflag:s25] =	ssyncset.done $0x0  }
0x19c: {  	[sflag:s25] =	ssyncadd.s32 $0xFFFFF000  }
0x19d: {  	_ =	sfence.sel $0x180000  }
0x19e: {  	[bflag:$0x0] =	sbarrier.arrive $0xFFFF  }
0x19f: {  	_ =	strace $0x90000047  }
0x1a0: {  	s0 =	stileid.u32;
	[bflag:$0x2] =	sbarrier.arrive $0xFFFF  }
0x1a1: {  	p0 =	sne.s32 s0, $0x0;
	s0 =	rddreg [dreg:$0x3]  }
0x1a2: {  	s0 =	sadd.s32 @!p0 $0x100000, s0  }
0x1a3: {  	[sflag:s0] =	ssyncadd.tile.s32 @!p0 $0x1;
	_ =	shalt  }
.Lfunc_end2:
_tile_overlayer_lowered:
.L_overlay_start_2:
0x1a4: {  	(tag) =	ssettag $0x2  }
0x1a5: {  	s0 =	rddreg [dreg:$0x0];
	s2 =	stileid.u32  }
0x1a6: {  	s1 =	rddreg [dreg:$0x1];
	p0 =	sne.s32 s2, $0x0  }
0x1a7: {  	s3 =	rddreg [dreg:$0x2];
	[bflag:$0x3] =	sbarrier.arrive $0xFFFF;
	s2 =	simm.s32 @!p0 $0x1C03  }
0x1a8: {  	[timem:s3], [sflag:s2] =	dma.local @!p0 [hbm:s0], s1  }
0x1a9: {  	s0 =	simm.s32 @!p0 $0x3  }
0x1aa: {  	_ =	swait.ge @!p0 [sflag:s0], s1  }
0x1ab: {  	s1 =	ssub.s32 @!p0 $0x0, s1;
	[sflag:s0] =	ssyncset.done @!p0 $0x0  }
0x1ac: {  	[sflag:s0] =	ssyncadd.s32 @!p0 s1  }
0x1ad: {  	[bflag:$0x3] =	sbarrier.arrive $0xFFFF  }
0x1ae: {  	_ =	shalt  }

</sc_bundles>
